<compile_context>
chip_gen: v7x
topology: tpu7x:2x2x1
jax: 0.10.2.dev20260603
libtpu: 0.0.44.dev20260713+nightly
codegen_flags: <defaults>
</compile_context>

<pallas_src>
import jax
import jax.numpy as jnp
import numpy as np
from jax import lax
from jax.experimental import pallas as pl
from jax.experimental.pallas import tpu as pltpu
from jax.experimental.pallas import tpu_sc as plsc

B = 4096
NF = 26
VOCAB = 100000
EMB = 64
NV = NF + 1
TOTAL = B * NF
TOP_IN_PAD = 512

NC, NS = 2, 16
NW = NC * NS
PER_W = TOTAL // NW
ROWS_PER_W = PER_W // 128
CHUNK_ROWS = 13
NCHUNK = ROWS_PER_W // CHUNK_ROWS
CHUNK = CHUNK_ROWS * 128

BT = 256
GRID = B // BT


def _sc_gather_body(cat_hbm, table_hbm, out_hbm, cat_v, rows_v, sem):
    c = lax.axis_index("c")
    s = lax.axis_index("s")
    wid = s * NC + c
    for ch in range(NCHUNK):
        flat0 = wid * PER_W + ch * CHUNK
        pltpu.sync_copy(cat_hbm.at[pl.ds(flat0, CHUNK)], cat_v)

        def add_body(i, carry):
            p0 = i * 16
            off = ((p0 + lax.iota(jnp.int32, 16)) % NF) * VOCAB
            cat_v[pl.ds(p0, 16)] = cat_v[pl.ds(p0, 16)] + off
            return carry

        lax.fori_loop(0, CHUNK // 16, add_body, 0)

        copies = [
            pltpu.async_copy(
                table_hbm.at[cat_v.at[pl.ds(j * 128, 128)]],
                rows_v.at[pl.ds(j * 128, 128)],
                sem,
            )
            for j in range(CHUNK_ROWS)
        ]
        for cp in copies:
            cp.wait()
        out0 = wid * PER_W + ch * CHUNK
        pltpu.sync_copy(rows_v, out_hbm.at[pl.ds(out0, CHUNK)])


def _sc_gather(cat2, table):
    mesh = plsc.VectorSubcoreMesh(
        core_axis_name="c", subcore_axis_name="s", num_cores=NC, num_subcores=NS
    )
    return pl.kernel(
        _sc_gather_body,
        out_type=jax.ShapeDtypeStruct((TOTAL, EMB), jnp.float32),
        mesh=mesh,
        scratch_types=[
            pltpu.VMEM((CHUNK,), jnp.int32),
            pltpu.VMEM((CHUNK, EMB), jnp.float32),
            pltpu.SemaphoreType.DMA,
        ],
        compiler_params=pltpu.CompilerParams(use_tc_tiling_on_sc=False),
    )(cat2, table)


def _tc_body(num_ref, emb_ref, bw0, bb0, bw1, bb1, bw2, bb2,
             tw0, tb0, tw1, tb1, tw2, tb2, tw3, tb3, tw4, tb4,
             s_ref, out_ref):
    f32 = jnp.float32
    num = num_ref[...]
    h = jnp.maximum(jnp.dot(num, bw0[...], preferred_element_type=f32) + bb0[...], 0.0)
    h = jnp.maximum(jnp.dot(h, bw1[...], preferred_element_type=f32) + bb1[...], 0.0)
    bot = jnp.maximum(jnp.dot(h, bw2[...], preferred_element_type=f32) + bb2[...], 0.0)

    emb = emb_ref[...]
    t = jnp.concatenate([bot, emb], axis=1)
    s_mat = s_ref[...]

    parts = [bot]
    for i in range(1, NV):
        ti = t[:, i * EMB:(i + 1) * EMB]
        tin = jnp.concatenate([ti] * NV, axis=1)
        zi = jnp.dot(t * tin, s_mat, preferred_element_type=f32)
        parts.append(zi[:, :i])
    parts.append(jnp.zeros((BT, TOP_IN_PAD - EMB - NV * (NV - 1) // 2), f32))
    x = jnp.concatenate(parts, axis=1)

    x = jnp.maximum(jnp.dot(x, tw0[...], preferred_element_type=f32) + tb0[...], 0.0)
    x = jnp.maximum(jnp.dot(x, tw1[...], preferred_element_type=f32) + tb1[...], 0.0)
    x = jnp.maximum(jnp.dot(x, tw2[...], preferred_element_type=f32) + tb2[...], 0.0)
    x = jnp.maximum(jnp.dot(x, tw3[...], preferred_element_type=f32) + tb3[...], 0.0)
    out_ref[...] = jnp.dot(x, tw4[...], preferred_element_type=f32) + tb4[...]


def _full(shape):
    return pl.BlockSpec(shape, lambda i: (0,) * len(shape))


def _tc_forward(num, emb2, weights, s_mat):
    in_specs = [
        pl.BlockSpec((BT, num.shape[1]), lambda i: (i, 0)),
        pl.BlockSpec((BT, NF * EMB), lambda i: (i, 0)),
    ]
    for w in weights:
        in_specs.append(_full(w.shape))
    in_specs.append(_full(s_mat.shape))
    return pl.pallas_call(
        _tc_body,
        grid=(GRID,),
        in_specs=in_specs,
        out_specs=pl.BlockSpec((BT, 128), lambda i: (i, 0)),
        out_shape=jax.ShapeDtypeStruct((B, 128), jnp.float32),
    )(num, emb2, *weights, s_mat)


def kernel(numerical_input, categorical_inputs, emb_table,
           bw0, bb0, bw1, bb1, bw2, bb2,
           tw0, tb0, tw1, tb1, tw2, tb2, tw3, tb3, tw4, tb4):
    cat2 = categorical_inputs.reshape(TOTAL)
    emb_flat = _sc_gather(cat2, emb_table)
    emb2 = emb_flat.reshape(B, NF * EMB)

    s_mat = jnp.asarray(np.repeat(np.eye(NV, dtype=np.float32), EMB, axis=0))
    tw0p = jnp.pad(tw0, ((0, TOP_IN_PAD - tw0.shape[0]), (0, 0)))
    tw4p = jnp.pad(tw4, ((0, 0), (0, 127)))
    tb4p = jnp.pad(tb4.reshape(1, 1), ((0, 0), (0, 127)))
    weights = (bw0, bb0.reshape(1, -1), bw1, bb1.reshape(1, -1),
               bw2, bb2.reshape(1, -1),
               tw0p, tb0.reshape(1, -1), tw1, tb1.reshape(1, -1),
               tw2, tb2.reshape(1, -1), tw3, tb3.reshape(1, -1),
               tw4p, tb4p)
    out128 = _tc_forward(numerical_input, emb2, weights, s_mat)
    return out128[:, :1]

# --- scband reference (transcript-rebuilt; emitter-appended) ---
"""Pipeline reference for scband-dlrm-33277406609850 (READ-ONLY COPY).

The authoritative reference and input builder live on the scoring server;
editing this copy changes nothing except your own understanding.
"""

import jax, jax.numpy as jnp
import numpy as np

B = 4096
NUM_FIELDS = 26
VOCAB = 100000
EMB = 64
NUM_DENSE = 13
NUM_VECTORS = NUM_FIELDS + 1  # 26 embeddings + bottom MLP output
INTER_DIM = NUM_VECTORS * (NUM_VECTORS - 1) // 2  # 351
TOP_IN = EMB + INTER_DIM  # 415

_TRIL_I, _TRIL_J = np.tril_indices(NUM_VECTORS, -1)


def _w(k, shape, scale=0.05):
    return jax.random.normal(k, shape, dtype=jnp.float32) * scale


def setup_inputs(seed: int = 0) -> dict:
    key = jax.random.key(seed)
    ks = jax.random.split(key, 24)
    inp = {}
    inp['numerical_input'] = jax.random.normal(ks[0], (B, NUM_DENSE), dtype=jnp.float32)
    inp['categorical_inputs'] = jax.random.randint(ks[1], (B, NUM_FIELDS), 0, VOCAB, dtype=jnp.int32)
    # joint embedding table: 26 tables of [VOCAB, EMB] stacked row-wise
    inp['emb_table'] = _w(ks[2], (NUM_FIELDS * VOCAB, EMB), 0.01)
    # bottom MLP: 13 -> 512 -> 256 -> 64
    inp['bw0'] = _w(ks[3], (NUM_DENSE, 512)); inp['bb0'] = jnp.zeros((512,), jnp.float32)
    inp['bw1'] = _w(ks[4], (512, 256));       inp['bb1'] = jnp.zeros((256,), jnp.float32)
    inp['bw2'] = _w(ks[5], (256, EMB));       inp['bb2'] = jnp.zeros((EMB,), jnp.float32)
    # top MLP: 415 -> 1024 -> 1024 -> 512 -> 256 -> 1
    inp['tw0'] = _w(ks[6], (TOP_IN, 1024));   inp['tb0'] = jnp.zeros((1024,), jnp.float32)
    inp['tw1'] = _w(ks[7], (1024, 1024));     inp['tb1'] = jnp.zeros((1024,), jnp.float32)
    inp['tw2'] = _w(ks[8], (1024, 512));      inp['tb2'] = jnp.zeros((512,), jnp.float32)
    inp['tw3'] = _w(ks[9], (512, 256));       inp['tb3'] = jnp.zeros((256,), jnp.float32)
    inp['tw4'] = _w(ks[10], (256, 1));        inp['tb4'] = jnp.zeros((1,), jnp.float32)
    return inp


def reference(numerical_input, categorical_inputs, emb_table,
              bw0, bb0, bw1, bb1, bw2, bb2,
              tw0, tb0, tw1, tb1, tw2, tb2, tw3, tb3, tw4, tb4):
    # ---- bottom model ----
    # embedding lookup (joint table with per-field row offsets)
    offsets = (jnp.arange(NUM_FIELDS, dtype=jnp.int32) * VOCAB)[None, :]
    idx = categorical_inputs + offsets                      # [B, 26]
    emb = jnp.take(emb_table, idx, axis=0)                  # [B, 26, 64]
    # bottom MLP on dense features
    h = jax.nn.relu(numerical_input @ bw0 + bb0)
    h = jax.nn.relu(h @ bw1 + bb1)
    bottom_mlp_output = jax.nn.relu(h @ bw2 + bb2)          # [B, 64]
    # ---- dot interaction ----
    T = jnp.concatenate([bottom_mlp_output[:, None, :], emb], axis=1)  # [B, 27, 64]
    Z = jnp.einsum('bik,bjk->bij', T, T)                    # [B, 27, 27]
    inter = Z[:, _TRIL_I, _TRIL_J]                          # [B, 351]
    x = jnp.concatenate([bottom_mlp_output, inter], axis=-1)  # [B, 415]
    # ---- top MLP ----
    x = jax.nn.relu(x @ tw0 + tb0)
    x = jax.nn.relu(x @ tw1 + tb1)
    x = jax.nn.relu(x @ tw2 + tb2)
    x = jax.nn.relu(x @ tw3 + tb3)
    out = x @ tw4 + tb4                                     # [B, 1] logits
    return out

if __name__ == "__main__":
    import jax
    _d = setup_inputs()
    print(jax.jit(kernel)(*tuple(_d.values())))

</pallas_src>

<mosaic_0001>
#map = affine_map<(d0, d1) -> (0)>
#map1 = affine_map<(d0, d1) -> (0, 0)>
module attributes {stable_mosaic.version = 14 : i64} {
  func.func @_sc_gather_body(%arg0: i32, %arg1: i32, %arg2: memref<106496xi32, #tpu.memory_space<hbm>>, %arg3: memref<2600000x64xf32, #tpu.memory_space<hbm>>, %arg4: memref<106496x64xf32, #tpu.memory_space<hbm>>, %arg5: memref<1664xi32, #tpu.memory_space<vmem>>, %arg6: memref<1664x64xf32, #tpu.memory_space<vmem>>, %arg7: memref<!tpu.dma_semaphore, #tpu.memory_space<semaphore_mem>>) attributes {dimension_semantics = [#tpu.dimension_semantics<core_parallel>, #tpu.dimension_semantics<subcore_parallel>], iteration_bounds = array<i64: 2, 16>, scalar_prefetch = 0 : i64, scratch_operands = 3 : i64, tpu.core_type = #tpu.core_type<sc_vector_subcore>, window_params = [{transform_indices = #map}, {transform_indices = #map1}, {transform_indices = #map1}]} {
    %mul3A = arith.constant 2 : i32
    %mul3A_0 = arith.muli %arg1, %mul3A : i32
    %add3A = arith.addi %mul3A_0, %arg0 : i32
    %mul3A_1 = arith.constant 3328 : i32
    %mul3A_2 = arith.muli %add3A, %mul3A_1 : i32
    %add3A_3 = arith.constant 0 : i32
    %add3A_4 = arith.addi %mul3A_2, %add3A_3 : i32
    "tpu.region"() ({
      %run_scoped3A = tpu.sem_alloc : memref<!tpu.dma_semaphore, #tpu.memory_space<semaphore_mem>>
      %dma_start3A_442 = tpu.memref_slice %arg2[%add3A_4] : memref<106496xi32, #tpu.memory_space<hbm>> -> memref<1664xi32, #tpu.memory_space<hbm>>
      %dma_start3A_443 = tpu.memref_slice %arg2[%add3A_4] : memref<106496xi32, #tpu.memory_space<hbm>> -> memref<1664xi32, #tpu.memory_space<hbm>>
      tpu.enqueue_dma source(%dma_start3A_443 : memref<1664xi32, #tpu.memory_space<hbm>>) target(%arg5 : memref<1664xi32, #tpu.memory_space<vmem>>) target_semaphore(%run_scoped3A : memref<!tpu.dma_semaphore, #tpu.memory_space<semaphore_mem>>)
      %dma_wait3A_444 = tpu.memref_slice %arg2[%add3A_4] : memref<106496xi32, #tpu.memory_space<hbm>> -> memref<1664xi32, #tpu.memory_space<hbm>>
      %dma_wait3A_445 = tpu.memref_slice %arg2[%add3A_4] : memref<106496xi32, #tpu.memory_space<hbm>> -> memref<1664xi32, #tpu.memory_space<hbm>>
      tpu.wait_dma2 semaphore(%run_scoped3A : memref<!tpu.dma_semaphore, #tpu.memory_space<semaphore_mem>>) src(%dma_wait3A_445 : memref<1664xi32, #tpu.memory_space<hbm>>) dst(%arg5 : memref<1664xi32, #tpu.memory_space<vmem>>)
      tpu.yield
    }) : () -> ()
    %scan3A = arith.constant 0 : i32
    %scan3A_5 = arith.constant 0 : i32
    %scan3A_6 = arith.constant 104 : i32
    %scan3A_7 = arith.addi %scan3A_5, %scan3A_6 : i32
    %scan3A_8 = arith.constant 1 : i32
    scf.for %scan3A_442 = %scan3A_5 to %scan3A_7 step %scan3A_8  : i32 {
      %mul3A_443 = arith.constant 16 : i32
      %mul3A_444 = arith.muli %scan3A_442, %mul3A_443 : i32
      %iota3A = tpu.iota {dimensions = array<i32: 0>} : vector<16xi32>
      %add3A_445 = vector.broadcast %mul3A_444 : i32 to vector<16xi32>
      %add3A_446 = arith.addi %add3A_445, %iota3A : vector<16xi32>
      %jit3A = arith.constant 26 : i32
      %eq3A = arith.constant 0 : i32
      %eq3A_447 = arith.cmpi eq, %jit3A, %eq3A : i32
      %jit3A_448 = arith.constant 1 : i32
      %select_n3A = arith.select %eq3A_447, %jit3A_448, %jit3A : i32
      %rem3A = vector.broadcast %select_n3A : i32 to vector<16xi32>
      %rem3A_449 = arith.remsi %add3A_446, %rem3A : vector<16xi32>
      %ne3A = arith.constant 0 : i32
      %ne3A_450 = vector.broadcast %ne3A : i32 to vector<16xi32>
      %ne3A_451 = arith.cmpi ne, %rem3A_449, %ne3A_450 : vector<16xi32>
      %lt3A = arith.constant 0 : i32
      %lt3A_452 = vector.broadcast %lt3A : i32 to vector<16xi32>
      %lt3A_453 = arith.cmpi slt, %rem3A_449, %lt3A_452 : vector<16xi32>
      %lt3A_454 = arith.constant 0 : i32
      %lt3A_455 = arith.cmpi slt, %select_n3A, %lt3A_454 : i32
      %ne3A_456 = vector.broadcast %lt3A_455 : i1 to vector<16xi1>
      %ne3A_457 = vector.broadcast %ne3A_456 : vector<16xi1> to vector<16xi1>
      %ne3A_458 = arith.xori %lt3A_453, %ne3A_457 : vector<16xi1>
      %and3A = arith.andi %ne3A_458, %ne3A_451 : vector<16xi1>
      %add3A_459 = vector.broadcast %select_n3A : i32 to vector<16xi32>
      %add3A_460 = arith.addi %rem3A_449, %add3A_459 : vector<16xi32>
      %select_n3A_461 = arith.select %and3A, %add3A_460, %rem3A_449 : vector<16xi1>, vector<16xi32>
      %mul3A_462 = arith.constant 100000 : i32
      %mul3A_463 = vector.broadcast %mul3A_462 : i32 to vector<16xi32>
      %mul3A_464 = arith.muli %select_n3A_461, %mul3A_463 : vector<16xi32>
      %get3A = arith.index_cast %mul3A_444 : i32 to index
      %get3A_465 = tpu.vector_load %arg5[%get3A] {strides = array<i32>} : memref<1664xi32, #tpu.memory_space<vmem>>, vector<16xi32>,
      %get3A_466 = vector.shape_cast %get3A_465 : vector<16xi32> to vector<16xi32>
      %add3A_467 = arith.addi %get3A_466, %mul3A_464 : vector<16xi32>
      %swap3A = arith.index_cast %mul3A_444 : i32 to index
      %swap3A_468 = tpu.vector_load %arg5[%swap3A] {strides = array<i32>} : memref<1664xi32, #tpu.memory_space<vmem>>, vector<16xi32>,
      %swap3A_469 = vector.shape_cast %swap3A_468 : vector<16xi32> to vector<16xi32>
      %swap3A_470 = vector.shape_cast %add3A_467 : vector<16xi32> to vector<16xi32>
      tpu.vector_store %arg5[%swap3A], %swap3A_470 {strides = array<i32>} : memref<1664xi32, #tpu.memory_space<vmem>>, vector<16xi32>,
    }
    %scan3A_9 = arith.constant 104 : i32
    %dma_start3A = arith.constant 0 : i32
    %dma_start3A_10 = arith.constant 0 : i32
    %dma_start3A_11 = tpu.memref_slice %arg6[%dma_start3A, %dma_start3A_10] : memref<1664x64xf32, #tpu.memory_space<vmem>> -> memref<128x64xf32, #tpu.memory_space<vmem>>
    %dma_start3A_12 = arith.constant 0 : i32
    %dma_start3A_13 = tpu.memref_slice %arg5[%dma_start3A_12] : memref<1664xi32, #tpu.memory_space<vmem>> -> memref<128xi32, #tpu.memory_space<vmem>>
    %dma_start3A_14 = arith.constant 0 : i32
    %dma_start3A_15 = arith.constant 0 : i32
    %dma_start3A_16 = tpu.memref_slice %arg3[%dma_start3A_14, %dma_start3A_15] : memref<2600000x64xf32, #tpu.memory_space<hbm>> -> memref<2600000x64xf32, #tpu.memory_space<hbm>>
    tpu.enqueue_indirect_dma source(%dma_start3A_16 : memref<2600000x64xf32, #tpu.memory_space<hbm>>) target(%dma_start3A_11 : memref<128x64xf32, #tpu.memory_space<vmem>>) offsets(%dma_start3A_13 : memref<128xi32, #tpu.memory_space<vmem>>) semaphore(%arg7 : memref<!tpu.dma_semaphore, #tpu.memory_space<semaphore_mem>>)
    %dma_start3A_17 = arith.constant 128 : i32
    %dma_start3A_18 = arith.constant 0 : i32
    %dma_start3A_19 = tpu.memref_slice %arg6[%dma_start3A_17, %dma_start3A_18] : memref<1664x64xf32, #tpu.memory_space<vmem>> -> memref<128x64xf32, #tpu.memory_space<vmem>>
    %dma_start3A_20 = arith.constant 128 : i32
    %dma_start3A_21 = tpu.memref_slice %arg5[%dma_start3A_20] : memref<1664xi32, #tpu.memory_space<vmem>> -> memref<128xi32, #tpu.memory_space<vmem>>
    %dma_start3A_22 = arith.constant 0 : i32
    %dma_start3A_23 = arith.constant 0 : i32
    %dma_start3A_24 = tpu.memref_slice %arg3[%dma_start3A_22, %dma_start3A_23] : memref<2600000x64xf32, #tpu.memory_space<hbm>> -> memref<2600000x64xf32, #tpu.memory_space<hbm>>
    tpu.enqueue_indirect_dma source(%dma_start3A_24 : memref<2600000x64xf32, #tpu.memory_space<hbm>>) target(%dma_start3A_19 : memref<128x64xf32, #tpu.memory_space<vmem>>) offsets(%dma_start3A_21 : memref<128xi32, #tpu.memory_space<vmem>>) semaphore(%arg7 : memref<!tpu.dma_semaphore, #tpu.memory_space<semaphore_mem>>)
    %dma_start3A_25 = arith.constant 256 : i32
    %dma_start3A_26 = arith.constant 0 : i32
    %dma_start3A_27 = tpu.memref_slice %arg6[%dma_start3A_25, %dma_start3A_26] : memref<1664x64xf32, #tpu.memory_space<vmem>> -> memref<128x64xf32, #tpu.memory_space<vmem>>
    %dma_start3A_28 = arith.constant 256 : i32
    %dma_start3A_29 = tpu.memref_slice %arg5[%dma_start3A_28] : memref<1664xi32, #tpu.memory_space<vmem>> -> memref<128xi32, #tpu.memory_space<vmem>>
    %dma_start3A_30 = arith.constant 0 : i32
    %dma_start3A_31 = arith.constant 0 : i32
    %dma_start3A_32 = tpu.memref_slice %arg3[%dma_start3A_30, %dma_start3A_31] : memref<2600000x64xf32, #tpu.memory_space<hbm>> -> memref<2600000x64xf32, #tpu.memory_space<hbm>>
    tpu.enqueue_indirect_dma source(%dma_start3A_32 : memref<2600000x64xf32, #tpu.memory_space<hbm>>) target(%dma_start3A_27 : memref<128x64xf32, #tpu.memory_space<vmem>>) offsets(%dma_start3A_29 : memref<128xi32, #tpu.memory_space<vmem>>) semaphore(%arg7 : memref<!tpu.dma_semaphore, #tpu.memory_space<semaphore_mem>>)
    %dma_start3A_33 = arith.constant 384 : i32
    %dma_start3A_34 = arith.constant 0 : i32
    %dma_start3A_35 = tpu.memref_slice %arg6[%dma_start3A_33, %dma_start3A_34] : memref<1664x64xf32, #tpu.memory_space<vmem>> -> memref<128x64xf32, #tpu.memory_space<vmem>>
    %dma_start3A_36 = arith.constant 384 : i32
    %dma_start3A_37 = tpu.memref_slice %arg5[%dma_start3A_36] : memref<1664xi32, #tpu.memory_space<vmem>> -> memref<128xi32, #tpu.memory_space<vmem>>
    %dma_start3A_38 = arith.constant 0 : i32
    %dma_start3A_39 = arith.constant 0 : i32
    %dma_start3A_40 = tpu.memref_slice %arg3[%dma_start3A_38, %dma_start3A_39] : memref<2600000x64xf32, #tpu.memory_space<hbm>> -> memref<2600000x64xf32, #tpu.memory_space<hbm>>
    tpu.enqueue_indirect_dma source(%dma_start3A_40 : memref<2600000x64xf32, #tpu.memory_space<hbm>>) target(%dma_start3A_35 : memref<128x64xf32, #tpu.memory_space<vmem>>) offsets(%dma_start3A_37 : memref<128xi32, #tpu.memory_space<vmem>>) semaphore(%arg7 : memref<!tpu.dma_semaphore, #tpu.memory_space<semaphore_mem>>)
    %dma_start3A_41 = arith.constant 512 : i32
    %dma_start3A_42 = arith.constant 0 : i32
    %dma_start3A_43 = tpu.memref_slice %arg6[%dma_start3A_41, %dma_start3A_42] : memref<1664x64xf32, #tpu.memory_space<vmem>> -> memref<128x64xf32, #tpu.memory_space<vmem>>
    %dma_start3A_44 = arith.constant 512 : i32
    %dma_start3A_45 = tpu.memref_slice %arg5[%dma_start3A_44] : memref<1664xi32, #tpu.memory_space<vmem>> -> memref<128xi32, #tpu.memory_space<vmem>>
    %dma_start3A_46 = arith.constant 0 : i32
    %dma_start3A_47 = arith.constant 0 : i32
    %dma_start3A_48 = tpu.memref_slice %arg3[%dma_start3A_46, %dma_start3A_47] : memref<2600000x64xf32, #tpu.memory_space<hbm>> -> memref<2600000x64xf32, #tpu.memory_space<hbm>>
    tpu.enqueue_indirect_dma source(%dma_start3A_48 : memref<2600000x64xf32, #tpu.memory_space<hbm>>) target(%dma_start3A_43 : memref<128x64xf32, #tpu.memory_space<vmem>>) offsets(%dma_start3A_45 : memref<128xi32, #tpu.memory_space<vmem>>) semaphore(%arg7 : memref<!tpu.dma_semaphore, #tpu.memory_space<semaphore_mem>>)
    %dma_start3A_49 = arith.constant 640 : i32
    %dma_start3A_50 = arith.constant 0 : i32
    %dma_start3A_51 = tpu.memref_slice %arg6[%dma_start3A_49, %dma_start3A_50] : memref<1664x64xf32, #tpu.memory_space<vmem>> -> memref<128x64xf32, #tpu.memory_space<vmem>>
    %dma_start3A_52 = arith.constant 640 : i32
    %dma_start3A_53 = tpu.memref_slice %arg5[%dma_start3A_52] : memref<1664xi32, #tpu.memory_space<vmem>> -> memref<128xi32, #tpu.memory_space<vmem>>
    %dma_start3A_54 = arith.constant 0 : i32
    %dma_start3A_55 = arith.constant 0 : i32
    %dma_start3A_56 = tpu.memref_slice %arg3[%dma_start3A_54, %dma_start3A_55] : memref<2600000x64xf32, #tpu.memory_space<hbm>> -> memref<2600000x64xf32, #tpu.memory_space<hbm>>
    tpu.enqueue_indirect_dma source(%dma_start3A_56 : memref<2600000x64xf32, #tpu.memory_space<hbm>>) target(%dma_start3A_51 : memref<128x64xf32, #tpu.memory_space<vmem>>) offsets(%dma_start3A_53 : memref<128xi32, #tpu.memory_space<vmem>>) semaphore(%arg7 : memref<!tpu.dma_semaphore, #tpu.memory_space<semaphore_mem>>)
    %dma_start3A_57 = arith.constant 768 : i32
    %dma_start3A_58 = arith.constant 0 : i32
    %dma_start3A_59 = tpu.memref_slice %arg6[%dma_start3A_57, %dma_start3A_58] : memref<1664x64xf32, #tpu.memory_space<vmem>> -> memref<128x64xf32, #tpu.memory_space<vmem>>
    %dma_start3A_60 = arith.constant 768 : i32
    %dma_start3A_61 = tpu.memref_slice %arg5[%dma_start3A_60] : memref<1664xi32, #tpu.memory_space<vmem>> -> memref<128xi32, #tpu.memory_space<vmem>>
    %dma_start3A_62 = arith.constant 0 : i32
    %dma_start3A_63 = arith.constant 0 : i32
    %dma_start3A_64 = tpu.memref_slice %arg3[%dma_start3A_62, %dma_start3A_63] : memref<2600000x64xf32, #tpu.memory_space<hbm>> -> memref<2600000x64xf32, #tpu.memory_space<hbm>>
    tpu.enqueue_indirect_dma source(%dma_start3A_64 : memref<2600000x64xf32, #tpu.memory_space<hbm>>) target(%dma_start3A_59 : memref<128x64xf32, #tpu.memory_space<vmem>>) offsets(%dma_start3A_61 : memref<128xi32, #tpu.memory_space<vmem>>) semaphore(%arg7 : memref<!tpu.dma_semaphore, #tpu.memory_space<semaphore_mem>>)
    %dma_start3A_65 = arith.constant 896 : i32
    %dma_start3A_66 = arith.constant 0 : i32
    %dma_start3A_67 = tpu.memref_slice %arg6[%dma_start3A_65, %dma_start3A_66] : memref<1664x64xf32, #tpu.memory_space<vmem>> -> memref<128x64xf32, #tpu.memory_space<vmem>>
    %dma_start3A_68 = arith.constant 896 : i32
    %dma_start3A_69 = tpu.memref_slice %arg5[%dma_start3A_68] : memref<1664xi32, #tpu.memory_space<vmem>> -> memref<128xi32, #tpu.memory_space<vmem>>
    %dma_start3A_70 = arith.constant 0 : i32
    %dma_start3A_71 = arith.constant 0 : i32
    %dma_start3A_72 = tpu.memref_slice %arg3[%dma_start3A_70, %dma_start3A_71] : memref<2600000x64xf32, #tpu.memory_space<hbm>> -> memref<2600000x64xf32, #tpu.memory_space<hbm>>
    tpu.enqueue_indirect_dma source(%dma_start3A_72 : memref<2600000x64xf32, #tpu.memory_space<hbm>>) target(%dma_start3A_67 : memref<128x64xf32, #tpu.memory_space<vmem>>) offsets(%dma_start3A_69 : memref<128xi32, #tpu.memory_space<vmem>>) semaphore(%arg7 : memref<!tpu.dma_semaphore, #tpu.memory_space<semaphore_mem>>)
    %dma_start3A_73 = arith.constant 1024 : i32
    %dma_start3A_74 = arith.constant 0 : i32
    %dma_start3A_75 = tpu.memref_slice %arg6[%dma_start3A_73, %dma_start3A_74] : memref<1664x64xf32, #tpu.memory_space<vmem>> -> memref<128x64xf32, #tpu.memory_space<vmem>>
    %dma_start3A_76 = arith.constant 1024 : i32
    %dma_start3A_77 = tpu.memref_slice %arg5[%dma_start3A_76] : memref<1664xi32, #tpu.memory_space<vmem>> -> memref<128xi32, #tpu.memory_space<vmem>>
    %dma_start3A_78 = arith.constant 0 : i32
    %dma_start3A_79 = arith.constant 0 : i32
    %dma_start3A_80 = tpu.memref_slice %arg3[%dma_start3A_78, %dma_start3A_79] : memref<2600000x64xf32, #tpu.memory_space<hbm>> -> memref<2600000x64xf32, #tpu.memory_space<hbm>>
    tpu.enqueue_indirect_dma source(%dma_start3A_80 : memref<2600000x64xf32, #tpu.memory_space<hbm>>) target(%dma_start3A_75 : memref<128x64xf32, #tpu.memory_space<vmem>>) offsets(%dma_start3A_77 : memref<128xi32, #tpu.memory_space<vmem>>) semaphore(%arg7 : memref<!tpu.dma_semaphore, #tpu.memory_space<semaphore_mem>>)
    %dma_start3A_81 = arith.constant 1152 : i32
    %dma_start3A_82 = arith.constant 0 : i32
    %dma_start3A_83 = tpu.memref_slice %arg6[%dma_start3A_81, %dma_start3A_82] : memref<1664x64xf32, #tpu.memory_space<vmem>> -> memref<128x64xf32, #tpu.memory_space<vmem>>
    %dma_start3A_84 = arith.constant 1152 : i32
    %dma_start3A_85 = tpu.memref_slice %arg5[%dma_start3A_84] : memref<1664xi32, #tpu.memory_space<vmem>> -> memref<128xi32, #tpu.memory_space<vmem>>
    %dma_start3A_86 = arith.constant 0 : i32
    %dma_start3A_87 = arith.constant 0 : i32
    %dma_start3A_88 = tpu.memref_slice %arg3[%dma_start3A_86, %dma_start3A_87] : memref<2600000x64xf32, #tpu.memory_space<hbm>> -> memref<2600000x64xf32, #tpu.memory_space<hbm>>
    tpu.enqueue_indirect_dma source(%dma_start3A_88 : memref<2600000x64xf32, #tpu.memory_space<hbm>>) target(%dma_start3A_83 : memref<128x64xf32, #tpu.memory_space<vmem>>) offsets(%dma_start3A_85 : memref<128xi32, #tpu.memory_space<vmem>>) semaphore(%arg7 : memref<!tpu.dma_semaphore, #tpu.memory_space<semaphore_mem>>)
    %dma_start3A_89 = arith.constant 1280 : i32
    %dma_start3A_90 = arith.constant 0 : i32
    %dma_start3A_91 = tpu.memref_slice %arg6[%dma_start3A_89, %dma_start3A_90] : memref<1664x64xf32, #tpu.memory_space<vmem>> -> memref<128x64xf32, #tpu.memory_space<vmem>>
    %dma_start3A_92 = arith.constant 1280 : i32
    %dma_start3A_93 = tpu.memref_slice %arg5[%dma_start3A_92] : memref<1664xi32, #tpu.memory_space<vmem>> -> memref<128xi32, #tpu.memory_space<vmem>>
    %dma_start3A_94 = arith.constant 0 : i32
    %dma_start3A_95 = arith.constant 0 : i32
    %dma_start3A_96 = tpu.memref_slice %arg3[%dma_start3A_94, %dma_start3A_95] : memref<2600000x64xf32, #tpu.memory_space<hbm>> -> memref<2600000x64xf32, #tpu.memory_space<hbm>>
    tpu.enqueue_indirect_dma source(%dma_start3A_96 : memref<2600000x64xf32, #tpu.memory_space<hbm>>) target(%dma_start3A_91 : memref<128x64xf32, #tpu.memory_space<vmem>>) offsets(%dma_start3A_93 : memref<128xi32, #tpu.memory_space<vmem>>) semaphore(%arg7 : memref<!tpu.dma_semaphore, #tpu.memory_space<semaphore_mem>>)
    %dma_start3A_97 = arith.constant 1408 : i32
    %dma_start3A_98 = arith.constant 0 : i32
    %dma_start3A_99 = tpu.memref_slice %arg6[%dma_start3A_97, %dma_start3A_98] : memref<1664x64xf32, #tpu.memory_space<vmem>> -> memref<128x64xf32, #tpu.memory_space<vmem>>
    %dma_start3A_100 = arith.constant 1408 : i32
    %dma_start3A_101 = tpu.memref_slice %arg5[%dma_start3A_100] : memref<1664xi32, #tpu.memory_space<vmem>> -> memref<128xi32, #tpu.memory_space<vmem>>
    %dma_start3A_102 = arith.constant 0 : i32
    %dma_start3A_103 = arith.constant 0 : i32
    %dma_start3A_104 = tpu.memref_slice %arg3[%dma_start3A_102, %dma_start3A_103] : memref<2600000x64xf32, #tpu.memory_space<hbm>> -> memref<2600000x64xf32, #tpu.memory_space<hbm>>
    tpu.enqueue_indirect_dma source(%dma_start3A_104 : memref<2600000x64xf32, #tpu.memory_space<hbm>>) target(%dma_start3A_99 : memref<128x64xf32, #tpu.memory_space<vmem>>) offsets(%dma_start3A_101 : memref<128xi32, #tpu.memory_space<vmem>>) semaphore(%arg7 : memref<!tpu.dma_semaphore, #tpu.memory_space<semaphore_mem>>)
    %dma_start3A_105 = arith.constant 1536 : i32
    %dma_start3A_106 = arith.constant 0 : i32
    %dma_start3A_107 = tpu.memref_slice %arg6[%dma_start3A_105, %dma_start3A_106] : memref<1664x64xf32, #tpu.memory_space<vmem>> -> memref<128x64xf32, #tpu.memory_space<vmem>>
    %dma_start3A_108 = arith.constant 1536 : i32
    %dma_start3A_109 = tpu.memref_slice %arg5[%dma_start3A_108] : memref<1664xi32, #tpu.memory_space<vmem>> -> memref<128xi32, #tpu.memory_space<vmem>>
    %dma_start3A_110 = arith.constant 0 : i32
    %dma_start3A_111 = arith.constant 0 : i32
    %dma_start3A_112 = tpu.memref_slice %arg3[%dma_start3A_110, %dma_start3A_111] : memref<2600000x64xf32, #tpu.memory_space<hbm>> -> memref<2600000x64xf32, #tpu.memory_space<hbm>>
    tpu.enqueue_indirect_dma source(%dma_start3A_112 : memref<2600000x64xf32, #tpu.memory_space<hbm>>) target(%dma_start3A_107 : memref<128x64xf32, #tpu.memory_space<vmem>>) offsets(%dma_start3A_109 : memref<128xi32, #tpu.memory_space<vmem>>) semaphore(%arg7 : memref<!tpu.dma_semaphore, #tpu.memory_space<semaphore_mem>>)
    %dma_wait3A = arith.constant 0 : i32
    %dma_wait3A_113 = arith.constant 0 : i32
    %dma_wait3A_114 = tpu.memref_slice %arg6[%dma_wait3A, %dma_wait3A_113] : memref<1664x64xf32, #tpu.memory_space<vmem>> -> memref<128x64xf32, #tpu.memory_space<vmem>>
    %dma_wait3A_115 = arith.constant 0 : i32
    %dma_wait3A_116 = tpu.memref_slice %arg5[%dma_wait3A_115] : memref<1664xi32, #tpu.memory_space<vmem>> -> memref<128xi32, #tpu.memory_space<vmem>>
    %dma_wait3A_117 = arith.constant 0 : i32
    %dma_wait3A_118 = arith.constant 0 : i32
    %dma_wait3A_119 = tpu.memref_slice %arg3[%dma_wait3A_117, %dma_wait3A_118] : memref<2600000x64xf32, #tpu.memory_space<hbm>> -> memref<2600000x64xf32, #tpu.memory_space<hbm>>
    tpu.wait_indirect_dma semaphore(%arg7 : memref<!tpu.dma_semaphore, #tpu.memory_space<semaphore_mem>>) src(%dma_wait3A_119 : memref<2600000x64xf32, #tpu.memory_space<hbm>>) dst(%dma_wait3A_114 : memref<128x64xf32, #tpu.memory_space<vmem>>)
    %dma_wait3A_120 = arith.constant 128 : i32
    %dma_wait3A_121 = arith.constant 0 : i32
    %dma_wait3A_122 = tpu.memref_slice %arg6[%dma_wait3A_120, %dma_wait3A_121] : memref<1664x64xf32, #tpu.memory_space<vmem>> -> memref<128x64xf32, #tpu.memory_space<vmem>>
    %dma_wait3A_123 = arith.constant 128 : i32
    %dma_wait3A_124 = tpu.memref_slice %arg5[%dma_wait3A_123] : memref<1664xi32, #tpu.memory_space<vmem>> -> memref<128xi32, #tpu.memory_space<vmem>>
    %dma_wait3A_125 = arith.constant 0 : i32
    %dma_wait3A_126 = arith.constant 0 : i32
    %dma_wait3A_127 = tpu.memref_slice %arg3[%dma_wait3A_125, %dma_wait3A_126] : memref<2600000x64xf32, #tpu.memory_space<hbm>> -> memref<2600000x64xf32, #tpu.memory_space<hbm>>
    tpu.wait_indirect_dma semaphore(%arg7 : memref<!tpu.dma_semaphore, #tpu.memory_space<semaphore_mem>>) src(%dma_wait3A_127 : memref<2600000x64xf32, #tpu.memory_space<hbm>>) dst(%dma_wait3A_122 : memref<128x64xf32, #tpu.memory_space<vmem>>)
    %dma_wait3A_128 = arith.constant 256 : i32
    %dma_wait3A_129 = arith.constant 0 : i32
    %dma_wait3A_130 = tpu.memref_slice %arg6[%dma_wait3A_128, %dma_wait3A_129] : memref<1664x64xf32, #tpu.memory_space<vmem>> -> memref<128x64xf32, #tpu.memory_space<vmem>>
    %dma_wait3A_131 = arith.constant 256 : i32
    %dma_wait3A_132 = tpu.memref_slice %arg5[%dma_wait3A_131] : memref<1664xi32, #tpu.memory_space<vmem>> -> memref<128xi32, #tpu.memory_space<vmem>>
    %dma_wait3A_133 = arith.constant 0 : i32
    %dma_wait3A_134 = arith.constant 0 : i32
    %dma_wait3A_135 = tpu.memref_slice %arg3[%dma_wait3A_133, %dma_wait3A_134] : memref<2600000x64xf32, #tpu.memory_space<hbm>> -> memref<2600000x64xf32, #tpu.memory_space<hbm>>
    tpu.wait_indirect_dma semaphore(%arg7 : memref<!tpu.dma_semaphore, #tpu.memory_space<semaphore_mem>>) src(%dma_wait3A_135 : memref<2600000x64xf32, #tpu.memory_space<hbm>>) dst(%dma_wait3A_130 : memref<128x64xf32, #tpu.memory_space<vmem>>)
    %dma_wait3A_136 = arith.constant 384 : i32
    %dma_wait3A_137 = arith.constant 0 : i32
    %dma_wait3A_138 = tpu.memref_slice %arg6[%dma_wait3A_136, %dma_wait3A_137] : memref<1664x64xf32, #tpu.memory_space<vmem>> -> memref<128x64xf32, #tpu.memory_space<vmem>>
    %dma_wait3A_139 = arith.constant 384 : i32
    %dma_wait3A_140 = tpu.memref_slice %arg5[%dma_wait3A_139] : memref<1664xi32, #tpu.memory_space<vmem>> -> memref<128xi32, #tpu.memory_space<vmem>>
    %dma_wait3A_141 = arith.constant 0 : i32
    %dma_wait3A_142 = arith.constant 0 : i32
    %dma_wait3A_143 = tpu.memref_slice %arg3[%dma_wait3A_141, %dma_wait3A_142] : memref<2600000x64xf32, #tpu.memory_space<hbm>> -> memref<2600000x64xf32, #tpu.memory_space<hbm>>
    tpu.wait_indirect_dma semaphore(%arg7 : memref<!tpu.dma_semaphore, #tpu.memory_space<semaphore_mem>>) src(%dma_wait3A_143 : memref<2600000x64xf32, #tpu.memory_space<hbm>>) dst(%dma_wait3A_138 : memref<128x64xf32, #tpu.memory_space<vmem>>)
    %dma_wait3A_144 = arith.constant 512 : i32
    %dma_wait3A_145 = arith.constant 0 : i32
    %dma_wait3A_146 = tpu.memref_slice %arg6[%dma_wait3A_144, %dma_wait3A_145] : memref<1664x64xf32, #tpu.memory_space<vmem>> -> memref<128x64xf32, #tpu.memory_space<vmem>>
    %dma_wait3A_147 = arith.constant 512 : i32
    %dma_wait3A_148 = tpu.memref_slice %arg5[%dma_wait3A_147] : memref<1664xi32, #tpu.memory_space<vmem>> -> memref<128xi32, #tpu.memory_space<vmem>>
    %dma_wait3A_149 = arith.constant 0 : i32
    %dma_wait3A_150 = arith.constant 0 : i32
    %dma_wait3A_151 = tpu.memref_slice %arg3[%dma_wait3A_149, %dma_wait3A_150] : memref<2600000x64xf32, #tpu.memory_space<hbm>> -> memref<2600000x64xf32, #tpu.memory_space<hbm>>
    tpu.wait_indirect_dma semaphore(%arg7 : memref<!tpu.dma_semaphore, #tpu.memory_space<semaphore_mem>>) src(%dma_wait3A_151 : memref<2600000x64xf32, #tpu.memory_space<hbm>>) dst(%dma_wait3A_146 : memref<128x64xf32, #tpu.memory_space<vmem>>)
    %dma_wait3A_152 = arith.constant 640 : i32
    %dma_wait3A_153 = arith.constant 0 : i32
    %dma_wait3A_154 = tpu.memref_slice %arg6[%dma_wait3A_152, %dma_wait3A_153] : memref<1664x64xf32, #tpu.memory_space<vmem>> -> memref<128x64xf32, #tpu.memory_space<vmem>>
    %dma_wait3A_155 = arith.constant 640 : i32
    %dma_wait3A_156 = tpu.memref_slice %arg5[%dma_wait3A_155] : memref<1664xi32, #tpu.memory_space<vmem>> -> memref<128xi32, #tpu.memory_space<vmem>>
    %dma_wait3A_157 = arith.constant 0 : i32
    %dma_wait3A_158 = arith.constant 0 : i32
    %dma_wait3A_159 = tpu.memref_slice %arg3[%dma_wait3A_157, %dma_wait3A_158] : memref<2600000x64xf32, #tpu.memory_space<hbm>> -> memref<2600000x64xf32, #tpu.memory_space<hbm>>
    tpu.wait_indirect_dma semaphore(%arg7 : memref<!tpu.dma_semaphore, #tpu.memory_space<semaphore_mem>>) src(%dma_wait3A_159 : memref<2600000x64xf32, #tpu.memory_space<hbm>>) dst(%dma_wait3A_154 : memref<128x64xf32, #tpu.memory_space<vmem>>)
    %dma_wait3A_160 = arith.constant 768 : i32
    %dma_wait3A_161 = arith.constant 0 : i32
    %dma_wait3A_162 = tpu.memref_slice %arg6[%dma_wait3A_160, %dma_wait3A_161] : memref<1664x64xf32, #tpu.memory_space<vmem>> -> memref<128x64xf32, #tpu.memory_space<vmem>>
    %dma_wait3A_163 = arith.constant 768 : i32
    %dma_wait3A_164 = tpu.memref_slice %arg5[%dma_wait3A_163] : memref<1664xi32, #tpu.memory_space<vmem>> -> memref<128xi32, #tpu.memory_space<vmem>>
    %dma_wait3A_165 = arith.constant 0 : i32
    %dma_wait3A_166 = arith.constant 0 : i32
    %dma_wait3A_167 = tpu.memref_slice %arg3[%dma_wait3A_165, %dma_wait3A_166] : memref<2600000x64xf32, #tpu.memory_space<hbm>> -> memref<2600000x64xf32, #tpu.memory_space<hbm>>
    tpu.wait_indirect_dma semaphore(%arg7 : memref<!tpu.dma_semaphore, #tpu.memory_space<semaphore_mem>>) src(%dma_wait3A_167 : memref<2600000x64xf32, #tpu.memory_space<hbm>>) dst(%dma_wait3A_162 : memref<128x64xf32, #tpu.memory_space<vmem>>)
    %dma_wait3A_168 = arith.constant 896 : i32
    %dma_wait3A_169 = arith.constant 0 : i32
    %dma_wait3A_170 = tpu.memref_slice %arg6[%dma_wait3A_168, %dma_wait3A_169] : memref<1664x64xf32, #tpu.memory_space<vmem>> -> memref<128x64xf32, #tpu.memory_space<vmem>>
    %dma_wait3A_171 = arith.constant 896 : i32
    %dma_wait3A_172 = tpu.memref_slice %arg5[%dma_wait3A_171] : memref<1664xi32, #tpu.memory_space<vmem>> -> memref<128xi32, #tpu.memory_space<vmem>>
    %dma_wait3A_173 = arith.constant 0 : i32
    %dma_wait3A_174 = arith.constant 0 : i32
    %dma_wait3A_175 = tpu.memref_slice %arg3[%dma_wait3A_173, %dma_wait3A_174] : memref<2600000x64xf32, #tpu.memory_space<hbm>> -> memref<2600000x64xf32, #tpu.memory_space<hbm>>
    tpu.wait_indirect_dma semaphore(%arg7 : memref<!tpu.dma_semaphore, #tpu.memory_space<semaphore_mem>>) src(%dma_wait3A_175 : memref<2600000x64xf32, #tpu.memory_space<hbm>>) dst(%dma_wait3A_170 : memref<128x64xf32, #tpu.memory_space<vmem>>)
    %dma_wait3A_176 = arith.constant 1024 : i32
    %dma_wait3A_177 = arith.constant 0 : i32
    %dma_wait3A_178 = tpu.memref_slice %arg6[%dma_wait3A_176, %dma_wait3A_177] : memref<1664x64xf32, #tpu.memory_space<vmem>> -> memref<128x64xf32, #tpu.memory_space<vmem>>
    %dma_wait3A_179 = arith.constant 1024 : i32
    %dma_wait3A_180 = tpu.memref_slice %arg5[%dma_wait3A_179] : memref<1664xi32, #tpu.memory_space<vmem>> -> memref<128xi32, #tpu.memory_space<vmem>>
    %dma_wait3A_181 = arith.constant 0 : i32
    %dma_wait3A_182 = arith.constant 0 : i32
    %dma_wait3A_183 = tpu.memref_slice %arg3[%dma_wait3A_181, %dma_wait3A_182] : memref<2600000x64xf32, #tpu.memory_space<hbm>> -> memref<2600000x64xf32, #tpu.memory_space<hbm>>
    tpu.wait_indirect_dma semaphore(%arg7 : memref<!tpu.dma_semaphore, #tpu.memory_space<semaphore_mem>>) src(%dma_wait3A_183 : memref<2600000x64xf32, #tpu.memory_space<hbm>>) dst(%dma_wait3A_178 : memref<128x64xf32, #tpu.memory_space<vmem>>)
    %dma_wait3A_184 = arith.constant 1152 : i32
    %dma_wait3A_185 = arith.constant 0 : i32
    %dma_wait3A_186 = tpu.memref_slice %arg6[%dma_wait3A_184, %dma_wait3A_185] : memref<1664x64xf32, #tpu.memory_space<vmem>> -> memref<128x64xf32, #tpu.memory_space<vmem>>
    %dma_wait3A_187 = arith.constant 1152 : i32
    %dma_wait3A_188 = tpu.memref_slice %arg5[%dma_wait3A_187] : memref<1664xi32, #tpu.memory_space<vmem>> -> memref<128xi32, #tpu.memory_space<vmem>>
    %dma_wait3A_189 = arith.constant 0 : i32
    %dma_wait3A_190 = arith.constant 0 : i32
    %dma_wait3A_191 = tpu.memref_slice %arg3[%dma_wait3A_189, %dma_wait3A_190] : memref<2600000x64xf32, #tpu.memory_space<hbm>> -> memref<2600000x64xf32, #tpu.memory_space<hbm>>
    tpu.wait_indirect_dma semaphore(%arg7 : memref<!tpu.dma_semaphore, #tpu.memory_space<semaphore_mem>>) src(%dma_wait3A_191 : memref<2600000x64xf32, #tpu.memory_space<hbm>>) dst(%dma_wait3A_186 : memref<128x64xf32, #tpu.memory_space<vmem>>)
    %dma_wait3A_192 = arith.constant 1280 : i32
    %dma_wait3A_193 = arith.constant 0 : i32
    %dma_wait3A_194 = tpu.memref_slice %arg6[%dma_wait3A_192, %dma_wait3A_193] : memref<1664x64xf32, #tpu.memory_space<vmem>> -> memref<128x64xf32, #tpu.memory_space<vmem>>
    %dma_wait3A_195 = arith.constant 1280 : i32
    %dma_wait3A_196 = tpu.memref_slice %arg5[%dma_wait3A_195] : memref<1664xi32, #tpu.memory_space<vmem>> -> memref<128xi32, #tpu.memory_space<vmem>>
    %dma_wait3A_197 = arith.constant 0 : i32
    %dma_wait3A_198 = arith.constant 0 : i32
    %dma_wait3A_199 = tpu.memref_slice %arg3[%dma_wait3A_197, %dma_wait3A_198] : memref<2600000x64xf32, #tpu.memory_space<hbm>> -> memref<2600000x64xf32, #tpu.memory_space<hbm>>
    tpu.wait_indirect_dma semaphore(%arg7 : memref<!tpu.dma_semaphore, #tpu.memory_space<semaphore_mem>>) src(%dma_wait3A_199 : memref<2600000x64xf32, #tpu.memory_space<hbm>>) dst(%dma_wait3A_194 : memref<128x64xf32, #tpu.memory_space<vmem>>)
    %dma_wait3A_200 = arith.constant 1408 : i32
    %dma_wait3A_201 = arith.constant 0 : i32
    %dma_wait3A_202 = tpu.memref_slice %arg6[%dma_wait3A_200, %dma_wait3A_201] : memref<1664x64xf32, #tpu.memory_space<vmem>> -> memref<128x64xf32, #tpu.memory_space<vmem>>
    %dma_wait3A_203 = arith.constant 1408 : i32
    %dma_wait3A_204 = tpu.memref_slice %arg5[%dma_wait3A_203] : memref<1664xi32, #tpu.memory_space<vmem>> -> memref<128xi32, #tpu.memory_space<vmem>>
    %dma_wait3A_205 = arith.constant 0 : i32
    %dma_wait3A_206 = arith.constant 0 : i32
    %dma_wait3A_207 = tpu.memref_slice %arg3[%dma_wait3A_205, %dma_wait3A_206] : memref<2600000x64xf32, #tpu.memory_space<hbm>> -> memref<2600000x64xf32, #tpu.memory_space<hbm>>
    tpu.wait_indirect_dma semaphore(%arg7 : memref<!tpu.dma_semaphore, #tpu.memory_space<semaphore_mem>>) src(%dma_wait3A_207 : memref<2600000x64xf32, #tpu.memory_space<hbm>>) dst(%dma_wait3A_202 : memref<128x64xf32, #tpu.memory_space<vmem>>)
    %dma_wait3A_208 = arith.constant 1536 : i32
    %dma_wait3A_209 = arith.constant 0 : i32
    %dma_wait3A_210 = tpu.memref_slice %arg6[%dma_wait3A_208, %dma_wait3A_209] : memref<1664x64xf32, #tpu.memory_space<vmem>> -> memref<128x64xf32, #tpu.memory_space<vmem>>
    %dma_wait3A_211 = arith.constant 1536 : i32
    %dma_wait3A_212 = tpu.memref_slice %arg5[%dma_wait3A_211] : memref<1664xi32, #tpu.memory_space<vmem>> -> memref<128xi32, #tpu.memory_space<vmem>>
    %dma_wait3A_213 = arith.constant 0 : i32
    %dma_wait3A_214 = arith.constant 0 : i32
    %dma_wait3A_215 = tpu.memref_slice %arg3[%dma_wait3A_213, %dma_wait3A_214] : memref<2600000x64xf32, #tpu.memory_space<hbm>> -> memref<2600000x64xf32, #tpu.memory_space<hbm>>
    tpu.wait_indirect_dma semaphore(%arg7 : memref<!tpu.dma_semaphore, #tpu.memory_space<semaphore_mem>>) src(%dma_wait3A_215 : memref<2600000x64xf32, #tpu.memory_space<hbm>>) dst(%dma_wait3A_210 : memref<128x64xf32, #tpu.memory_space<vmem>>)
    %mul3A_216 = arith.constant 3328 : i32
    %mul3A_217 = arith.muli %add3A, %mul3A_216 : i32
    %add3A_218 = arith.constant 0 : i32
    %add3A_219 = arith.addi %mul3A_217, %add3A_218 : i32
    "tpu.region"() ({
      %run_scoped3A = tpu.sem_alloc : memref<!tpu.dma_semaphore, #tpu.memory_space<semaphore_mem>>
      %dma_start3A_442 = arith.constant 0 : i32
      %dma_start3A_443 = tpu.memref_slice %arg4[%add3A_219, %dma_start3A_442] : memref<106496x64xf32, #tpu.memory_space<hbm>> -> memref<1664x64xf32, #tpu.memory_space<hbm>>
      %dma_start3A_444 = arith.constant 0 : i32
      %dma_start3A_445 = tpu.memref_slice %arg4[%add3A_219, %dma_start3A_444] : memref<106496x64xf32, #tpu.memory_space<hbm>> -> memref<1664x64xf32, #tpu.memory_space<hbm>>
      tpu.enqueue_dma source(%arg6 : memref<1664x64xf32, #tpu.memory_space<vmem>>) target(%dma_start3A_445 : memref<1664x64xf32, #tpu.memory_space<hbm>>) target_semaphore(%run_scoped3A : memref<!tpu.dma_semaphore, #tpu.memory_space<semaphore_mem>>)
      %dma_wait3A_446 = arith.constant 0 : i32
      %dma_wait3A_447 = tpu.memref_slice %arg4[%add3A_219, %dma_wait3A_446] : memref<106496x64xf32, #tpu.memory_space<hbm>> -> memref<1664x64xf32, #tpu.memory_space<hbm>>
      %dma_wait3A_448 = arith.constant 0 : i32
      %dma_wait3A_449 = tpu.memref_slice %arg4[%add3A_219, %dma_wait3A_448] : memref<106496x64xf32, #tpu.memory_space<hbm>> -> memref<1664x64xf32, #tpu.memory_space<hbm>>
      tpu.wait_dma2 semaphore(%run_scoped3A : memref<!tpu.dma_semaphore, #tpu.memory_space<semaphore_mem>>) src(%arg6 : memref<1664x64xf32, #tpu.memory_space<vmem>>) dst(%dma_wait3A_449 : memref<1664x64xf32, #tpu.memory_space<hbm>>)
      tpu.yield
    }) : () -> ()
    %mul3A_220 = arith.constant 3328 : i32
    %mul3A_221 = arith.muli %add3A, %mul3A_220 : i32
    %add3A_222 = arith.constant 1664 : i32
    %add3A_223 = arith.addi %mul3A_221, %add3A_222 : i32
    "tpu.region"() ({
      %run_scoped3A = tpu.sem_alloc : memref<!tpu.dma_semaphore, #tpu.memory_space<semaphore_mem>>
      %dma_start3A_442 = tpu.memref_slice %arg2[%add3A_223] : memref<106496xi32, #tpu.memory_space<hbm>> -> memref<1664xi32, #tpu.memory_space<hbm>>
      %dma_start3A_443 = tpu.memref_slice %arg2[%add3A_223] : memref<106496xi32, #tpu.memory_space<hbm>> -> memref<1664xi32, #tpu.memory_space<hbm>>
      tpu.enqueue_dma source(%dma_start3A_443 : memref<1664xi32, #tpu.memory_space<hbm>>) target(%arg5 : memref<1664xi32, #tpu.memory_space<vmem>>) target_semaphore(%run_scoped3A : memref<!tpu.dma_semaphore, #tpu.memory_space<semaphore_mem>>)
      %dma_wait3A_444 = tpu.memref_slice %arg2[%add3A_223] : memref<106496xi32, #tpu.memory_space<hbm>> -> memref<1664xi32, #tpu.memory_space<hbm>>
      %dma_wait3A_445 = tpu.memref_slice %arg2[%add3A_223] : memref<106496xi32, #tpu.memory_space<hbm>> -> memref<1664xi32, #tpu.memory_space<hbm>>
      tpu.wait_dma2 semaphore(%run_scoped3A : memref<!tpu.dma_semaphore, #tpu.memory_space<semaphore_mem>>) src(%dma_wait3A_445 : memref<1664xi32, #tpu.memory_space<hbm>>) dst(%arg5 : memref<1664xi32, #tpu.memory_space<vmem>>)
      tpu.yield
    }) : () -> ()
    %scan3A_224 = arith.constant 0 : i32
    %scan3A_225 = arith.constant 0 : i32
    %scan3A_226 = arith.constant 104 : i32
    %scan3A_227 = arith.addi %scan3A_225, %scan3A_226 : i32
    %scan3A_228 = arith.constant 1 : i32
    scf.for %scan3A_442 = %scan3A_225 to %scan3A_227 step %scan3A_228  : i32 {
      %mul3A_443 = arith.constant 16 : i32
      %mul3A_444 = arith.muli %scan3A_442, %mul3A_443 : i32
      %iota3A = tpu.iota {dimensions = array<i32: 0>} : vector<16xi32>
      %add3A_445 = vector.broadcast %mul3A_444 : i32 to vector<16xi32>
      %add3A_446 = arith.addi %add3A_445, %iota3A : vector<16xi32>
      %jit3A = arith.constant 26 : i32
      %eq3A = arith.constant 0 : i32
      %eq3A_447 = arith.cmpi eq, %jit3A, %eq3A : i32
      %jit3A_448 = arith.constant 1 : i32
      %select_n3A = arith.select %eq3A_447, %jit3A_448, %jit3A : i32
      %rem3A = vector.broadcast %select_n3A : i32 to vector<16xi32>
      %rem3A_449 = arith.remsi %add3A_446, %rem3A : vector<16xi32>
      %ne3A = arith.constant 0 : i32
      %ne3A_450 = vector.broadcast %ne3A : i32 to vector<16xi32>
      %ne3A_451 = arith.cmpi ne, %rem3A_449, %ne3A_450 : vector<16xi32>
      %lt3A = arith.constant 0 : i32
      %lt3A_452 = vector.broadcast %lt3A : i32 to vector<16xi32>
      %lt3A_453 = arith.cmpi slt, %rem3A_449, %lt3A_452 : vector<16xi32>
      %lt3A_454 = arith.constant 0 : i32
      %lt3A_455 = arith.cmpi slt, %select_n3A, %lt3A_454 : i32
      %ne3A_456 = vector.broadcast %lt3A_455 : i1 to vector<16xi1>
      %ne3A_457 = vector.broadcast %ne3A_456 : vector<16xi1> to vector<16xi1>
      %ne3A_458 = arith.xori %lt3A_453, %ne3A_457 : vector<16xi1>
      %and3A = arith.andi %ne3A_458, %ne3A_451 : vector<16xi1>
      %add3A_459 = vector.broadcast %select_n3A : i32 to vector<16xi32>
      %add3A_460 = arith.addi %rem3A_449, %add3A_459 : vector<16xi32>
      %select_n3A_461 = arith.select %and3A, %add3A_460, %rem3A_449 : vector<16xi1>, vector<16xi32>
      %mul3A_462 = arith.constant 100000 : i32
      %mul3A_463 = vector.broadcast %mul3A_462 : i32 to vector<16xi32>
      %mul3A_464 = arith.muli %select_n3A_461, %mul3A_463 : vector<16xi32>
      %get3A = arith.index_cast %mul3A_444 : i32 to index
      %get3A_465 = tpu.vector_load %arg5[%get3A] {strides = array<i32>} : memref<1664xi32, #tpu.memory_space<vmem>>, vector<16xi32>,
      %get3A_466 = vector.shape_cast %get3A_465 : vector<16xi32> to vector<16xi32>
      %add3A_467 = arith.addi %get3A_466, %mul3A_464 : vector<16xi32>
      %swap3A = arith.index_cast %mul3A_444 : i32 to index
      %swap3A_468 = tpu.vector_load %arg5[%swap3A] {strides = array<i32>} : memref<1664xi32, #tpu.memory_space<vmem>>, vector<16xi32>,
      %swap3A_469 = vector.shape_cast %swap3A_468 : vector<16xi32> to vector<16xi32>
      %swap3A_470 = vector.shape_cast %add3A_467 : vector<16xi32> to vector<16xi32>
      tpu.vector_store %arg5[%swap3A], %swap3A_470 {strides = array<i32>} : memref<1664xi32, #tpu.memory_space<vmem>>, vector<16xi32>,
    }
    %scan3A_229 = arith.constant 104 : i32
    %dma_start3A_230 = arith.constant 0 : i32
    %dma_start3A_231 = arith.constant 0 : i32
    %dma_start3A_232 = tpu.memref_slice %arg6[%dma_start3A_230, %dma_start3A_231] : memref<1664x64xf32, #tpu.memory_space<vmem>> -> memref<128x64xf32, #tpu.memory_space<vmem>>
    %dma_start3A_233 = arith.constant 0 : i32
    %dma_start3A_234 = tpu.memref_slice %arg5[%dma_start3A_233] : memref<1664xi32, #tpu.memory_space<vmem>> -> memref<128xi32, #tpu.memory_space<vmem>>
    %dma_start3A_235 = arith.constant 0 : i32
    %dma_start3A_236 = arith.constant 0 : i32
    %dma_start3A_237 = tpu.memref_slice %arg3[%dma_start3A_235, %dma_start3A_236] : memref<2600000x64xf32, #tpu.memory_space<hbm>> -> memref<2600000x64xf32, #tpu.memory_space<hbm>>
    tpu.enqueue_indirect_dma source(%dma_start3A_237 : memref<2600000x64xf32, #tpu.memory_space<hbm>>) target(%dma_start3A_232 : memref<128x64xf32, #tpu.memory_space<vmem>>) offsets(%dma_start3A_234 : memref<128xi32, #tpu.memory_space<vmem>>) semaphore(%arg7 : memref<!tpu.dma_semaphore, #tpu.memory_space<semaphore_mem>>)
    %dma_start3A_238 = arith.constant 128 : i32
    %dma_start3A_239 = arith.constant 0 : i32
    %dma_start3A_240 = tpu.memref_slice %arg6[%dma_start3A_238, %dma_start3A_239] : memref<1664x64xf32, #tpu.memory_space<vmem>> -> memref<128x64xf32, #tpu.memory_space<vmem>>
    %dma_start3A_241 = arith.constant 128 : i32
    %dma_start3A_242 = tpu.memref_slice %arg5[%dma_start3A_241] : memref<1664xi32, #tpu.memory_space<vmem>> -> memref<128xi32, #tpu.memory_space<vmem>>
    %dma_start3A_243 = arith.constant 0 : i32
    %dma_start3A_244 = arith.constant 0 : i32
    %dma_start3A_245 = tpu.memref_slice %arg3[%dma_start3A_243, %dma_start3A_244] : memref<2600000x64xf32, #tpu.memory_space<hbm>> -> memref<2600000x64xf32, #tpu.memory_space<hbm>>
    tpu.enqueue_indirect_dma source(%dma_start3A_245 : memref<2600000x64xf32, #tpu.memory_space<hbm>>) target(%dma_start3A_240 : memref<128x64xf32, #tpu.memory_space<vmem>>) offsets(%dma_start3A_242 : memref<128xi32, #tpu.memory_space<vmem>>) semaphore(%arg7 : memref<!tpu.dma_semaphore, #tpu.memory_space<semaphore_mem>>)
    %dma_start3A_246 = arith.constant 256 : i32
    %dma_start3A_247 = arith.constant 0 : i32
    %dma_start3A_248 = tpu.memref_slice %arg6[%dma_start3A_246, %dma_start3A_247] : memref<1664x64xf32, #tpu.memory_space<vmem>> -> memref<128x64xf32, #tpu.memory_space<vmem>>
    %dma_start3A_249 = arith.constant 256 : i32
    %dma_start3A_250 = tpu.memref_slice %arg5[%dma_start3A_249] : memref<1664xi32, #tpu.memory_space<vmem>> -> memref<128xi32, #tpu.memory_space<vmem>>
    %dma_start3A_251 = arith.constant 0 : i32
    %dma_start3A_252 = arith.constant 0 : i32
    %dma_start3A_253 = tpu.memref_slice %arg3[%dma_start3A_251, %dma_start3A_252] : memref<2600000x64xf32, #tpu.memory_space<hbm>> -> memref<2600000x64xf32, #tpu.memory_space<hbm>>
    tpu.enqueue_indirect_dma source(%dma_start3A_253 : memref<2600000x64xf32, #tpu.memory_space<hbm>>) target(%dma_start3A_248 : memref<128x64xf32, #tpu.memory_space<vmem>>) offsets(%dma_start3A_250 : memref<128xi32, #tpu.memory_space<vmem>>) semaphore(%arg7 : memref<!tpu.dma_semaphore, #tpu.memory_space<semaphore_mem>>)
    %dma_start3A_254 = arith.constant 384 : i32
    %dma_start3A_255 = arith.constant 0 : i32
    %dma_start3A_256 = tpu.memref_slice %arg6[%dma_start3A_254, %dma_start3A_255] : memref<1664x64xf32, #tpu.memory_space<vmem>> -> memref<128x64xf32, #tpu.memory_space<vmem>>
    %dma_start3A_257 = arith.constant 384 : i32
    %dma_start3A_258 = tpu.memref_slice %arg5[%dma_start3A_257] : memref<1664xi32, #tpu.memory_space<vmem>> -> memref<128xi32, #tpu.memory_space<vmem>>
    %dma_start3A_259 = arith.constant 0 : i32
    %dma_start3A_260 = arith.constant 0 : i32
    %dma_start3A_261 = tpu.memref_slice %arg3[%dma_start3A_259, %dma_start3A_260] : memref<2600000x64xf32, #tpu.memory_space<hbm>> -> memref<2600000x64xf32, #tpu.memory_space<hbm>>
    tpu.enqueue_indirect_dma source(%dma_start3A_261 : memref<2600000x64xf32, #tpu.memory_space<hbm>>) target(%dma_start3A_256 : memref<128x64xf32, #tpu.memory_space<vmem>>) offsets(%dma_start3A_258 : memref<128xi32, #tpu.memory_space<vmem>>) semaphore(%arg7 : memref<!tpu.dma_semaphore, #tpu.memory_space<semaphore_mem>>)
    %dma_start3A_262 = arith.constant 512 : i32
    %dma_start3A_263 = arith.constant 0 : i32
    %dma_start3A_264 = tpu.memref_slice %arg6[%dma_start3A_262, %dma_start3A_263] : memref<1664x64xf32, #tpu.memory_space<vmem>> -> memref<128x64xf32, #tpu.memory_space<vmem>>
    %dma_start3A_265 = arith.constant 512 : i32
    %dma_start3A_266 = tpu.memref_slice %arg5[%dma_start3A_265] : memref<1664xi32, #tpu.memory_space<vmem>> -> memref<128xi32, #tpu.memory_space<vmem>>
    %dma_start3A_267 = arith.constant 0 : i32
    %dma_start3A_268 = arith.constant 0 : i32
    %dma_start3A_269 = tpu.memref_slice %arg3[%dma_start3A_267, %dma_start3A_268] : memref<2600000x64xf32, #tpu.memory_space<hbm>> -> memref<2600000x64xf32, #tpu.memory_space<hbm>>
    tpu.enqueue_indirect_dma source(%dma_start3A_269 : memref<2600000x64xf32, #tpu.memory_space<hbm>>) target(%dma_start3A_264 : memref<128x64xf32, #tpu.memory_space<vmem>>) offsets(%dma_start3A_266 : memref<128xi32, #tpu.memory_space<vmem>>) semaphore(%arg7 : memref<!tpu.dma_semaphore, #tpu.memory_space<semaphore_mem>>)
    %dma_start3A_270 = arith.constant 640 : i32
    %dma_start3A_271 = arith.constant 0 : i32
    %dma_start3A_272 = tpu.memref_slice %arg6[%dma_start3A_270, %dma_start3A_271] : memref<1664x64xf32, #tpu.memory_space<vmem>> -> memref<128x64xf32, #tpu.memory_space<vmem>>
    %dma_start3A_273 = arith.constant 640 : i32
    %dma_start3A_274 = tpu.memref_slice %arg5[%dma_start3A_273] : memref<1664xi32, #tpu.memory_space<vmem>> -> memref<128xi32, #tpu.memory_space<vmem>>
    %dma_start3A_275 = arith.constant 0 : i32
    %dma_start3A_276 = arith.constant 0 : i32
    %dma_start3A_277 = tpu.memref_slice %arg3[%dma_start3A_275, %dma_start3A_276] : memref<2600000x64xf32, #tpu.memory_space<hbm>> -> memref<2600000x64xf32, #tpu.memory_space<hbm>>
    tpu.enqueue_indirect_dma source(%dma_start3A_277 : memref<2600000x64xf32, #tpu.memory_space<hbm>>) target(%dma_start3A_272 : memref<128x64xf32, #tpu.memory_space<vmem>>) offsets(%dma_start3A_274 : memref<128xi32, #tpu.memory_space<vmem>>) semaphore(%arg7 : memref<!tpu.dma_semaphore, #tpu.memory_space<semaphore_mem>>)
    %dma_start3A_278 = arith.constant 768 : i32
    %dma_start3A_279 = arith.constant 0 : i32
    %dma_start3A_280 = tpu.memref_slice %arg6[%dma_start3A_278, %dma_start3A_279] : memref<1664x64xf32, #tpu.memory_space<vmem>> -> memref<128x64xf32, #tpu.memory_space<vmem>>
    %dma_start3A_281 = arith.constant 768 : i32
    %dma_start3A_282 = tpu.memref_slice %arg5[%dma_start3A_281] : memref<1664xi32, #tpu.memory_space<vmem>> -> memref<128xi32, #tpu.memory_space<vmem>>
    %dma_start3A_283 = arith.constant 0 : i32
    %dma_start3A_284 = arith.constant 0 : i32
    %dma_start3A_285 = tpu.memref_slice %arg3[%dma_start3A_283, %dma_start3A_284] : memref<2600000x64xf32, #tpu.memory_space<hbm>> -> memref<2600000x64xf32, #tpu.memory_space<hbm>>
    tpu.enqueue_indirect_dma source(%dma_start3A_285 : memref<2600000x64xf32, #tpu.memory_space<hbm>>) target(%dma_start3A_280 : memref<128x64xf32, #tpu.memory_space<vmem>>) offsets(%dma_start3A_282 : memref<128xi32, #tpu.memory_space<vmem>>) semaphore(%arg7 : memref<!tpu.dma_semaphore, #tpu.memory_space<semaphore_mem>>)
    %dma_start3A_286 = arith.constant 896 : i32
    %dma_start3A_287 = arith.constant 0 : i32
    %dma_start3A_288 = tpu.memref_slice %arg6[%dma_start3A_286, %dma_start3A_287] : memref<1664x64xf32, #tpu.memory_space<vmem>> -> memref<128x64xf32, #tpu.memory_space<vmem>>
    %dma_start3A_289 = arith.constant 896 : i32
    %dma_start3A_290 = tpu.memref_slice %arg5[%dma_start3A_289] : memref<1664xi32, #tpu.memory_space<vmem>> -> memref<128xi32, #tpu.memory_space<vmem>>
    %dma_start3A_291 = arith.constant 0 : i32
    %dma_start3A_292 = arith.constant 0 : i32
    %dma_start3A_293 = tpu.memref_slice %arg3[%dma_start3A_291, %dma_start3A_292] : memref<2600000x64xf32, #tpu.memory_space<hbm>> -> memref<2600000x64xf32, #tpu.memory_space<hbm>>
    tpu.enqueue_indirect_dma source(%dma_start3A_293 : memref<2600000x64xf32, #tpu.memory_space<hbm>>) target(%dma_start3A_288 : memref<128x64xf32, #tpu.memory_space<vmem>>) offsets(%dma_start3A_290 : memref<128xi32, #tpu.memory_space<vmem>>) semaphore(%arg7 : memref<!tpu.dma_semaphore, #tpu.memory_space<semaphore_mem>>)
    %dma_start3A_294 = arith.constant 1024 : i32
    %dma_start3A_295 = arith.constant 0 : i32
    %dma_start3A_296 = tpu.memref_slice %arg6[%dma_start3A_294, %dma_start3A_295] : memref<1664x64xf32, #tpu.memory_space<vmem>> -> memref<128x64xf32, #tpu.memory_space<vmem>>
    %dma_start3A_297 = arith.constant 1024 : i32
    %dma_start3A_298 = tpu.memref_slice %arg5[%dma_start3A_297] : memref<1664xi32, #tpu.memory_space<vmem>> -> memref<128xi32, #tpu.memory_space<vmem>>
    %dma_start3A_299 = arith.constant 0 : i32
    %dma_start3A_300 = arith.constant 0 : i32
    %dma_start3A_301 = tpu.memref_slice %arg3[%dma_start3A_299, %dma_start3A_300] : memref<2600000x64xf32, #tpu.memory_space<hbm>> -> memref<2600000x64xf32, #tpu.memory_space<hbm>>
    tpu.enqueue_indirect_dma source(%dma_start3A_301 : memref<2600000x64xf32, #tpu.memory_space<hbm>>) target(%dma_start3A_296 : memref<128x64xf32, #tpu.memory_space<vmem>>) offsets(%dma_start3A_298 : memref<128xi32, #tpu.memory_space<vmem>>) semaphore(%arg7 : memref<!tpu.dma_semaphore, #tpu.memory_space<semaphore_mem>>)
    %dma_start3A_302 = arith.constant 1152 : i32
    %dma_start3A_303 = arith.constant 0 : i32
    %dma_start3A_304 = tpu.memref_slice %arg6[%dma_start3A_302, %dma_start3A_303] : memref<1664x64xf32, #tpu.memory_space<vmem>> -> memref<128x64xf32, #tpu.memory_space<vmem>>
    %dma_start3A_305 = arith.constant 1152 : i32
    %dma_start3A_306 = tpu.memref_slice %arg5[%dma_start3A_305] : memref<1664xi32, #tpu.memory_space<vmem>> -> memref<128xi32, #tpu.memory_space<vmem>>
    %dma_start3A_307 = arith.constant 0 : i32
    %dma_start3A_308 = arith.constant 0 : i32
    %dma_start3A_309 = tpu.memref_slice %arg3[%dma_start3A_307, %dma_start3A_308] : memref<2600000x64xf32, #tpu.memory_space<hbm>> -> memref<2600000x64xf32, #tpu.memory_space<hbm>>
    tpu.enqueue_indirect_dma source(%dma_start3A_309 : memref<2600000x64xf32, #tpu.memory_space<hbm>>) target(%dma_start3A_304 : memref<128x64xf32, #tpu.memory_space<vmem>>) offsets(%dma_start3A_306 : memref<128xi32, #tpu.memory_space<vmem>>) semaphore(%arg7 : memref<!tpu.dma_semaphore, #tpu.memory_space<semaphore_mem>>)
    %dma_start3A_310 = arith.constant 1280 : i32
    %dma_start3A_311 = arith.constant 0 : i32
    %dma_start3A_312 = tpu.memref_slice %arg6[%dma_start3A_310, %dma_start3A_311] : memref<1664x64xf32, #tpu.memory_space<vmem>> -> memref<128x64xf32, #tpu.memory_space<vmem>>
    %dma_start3A_313 = arith.constant 1280 : i32
    %dma_start3A_314 = tpu.memref_slice %arg5[%dma_start3A_313] : memref<1664xi32, #tpu.memory_space<vmem>> -> memref<128xi32, #tpu.memory_space<vmem>>
    %dma_start3A_315 = arith.constant 0 : i32
    %dma_start3A_316 = arith.constant 0 : i32
    %dma_start3A_317 = tpu.memref_slice %arg3[%dma_start3A_315, %dma_start3A_316] : memref<2600000x64xf32, #tpu.memory_space<hbm>> -> memref<2600000x64xf32, #tpu.memory_space<hbm>>
    tpu.enqueue_indirect_dma source(%dma_start3A_317 : memref<2600000x64xf32, #tpu.memory_space<hbm>>) target(%dma_start3A_312 : memref<128x64xf32, #tpu.memory_space<vmem>>) offsets(%dma_start3A_314 : memref<128xi32, #tpu.memory_space<vmem>>) semaphore(%arg7 : memref<!tpu.dma_semaphore, #tpu.memory_space<semaphore_mem>>)
    %dma_start3A_318 = arith.constant 1408 : i32
    %dma_start3A_319 = arith.constant 0 : i32
    %dma_start3A_320 = tpu.memref_slice %arg6[%dma_start3A_318, %dma_start3A_319] : memref<1664x64xf32, #tpu.memory_space<vmem>> -> memref<128x64xf32, #tpu.memory_space<vmem>>
    %dma_start3A_321 = arith.constant 1408 : i32
    %dma_start3A_322 = tpu.memref_slice %arg5[%dma_start3A_321] : memref<1664xi32, #tpu.memory_space<vmem>> -> memref<128xi32, #tpu.memory_space<vmem>>
    %dma_start3A_323 = arith.constant 0 : i32
    %dma_start3A_324 = arith.constant 0 : i32
    %dma_start3A_325 = tpu.memref_slice %arg3[%dma_start3A_323, %dma_start3A_324] : memref<2600000x64xf32, #tpu.memory_space<hbm>> -> memref<2600000x64xf32, #tpu.memory_space<hbm>>
    tpu.enqueue_indirect_dma source(%dma_start3A_325 : memref<2600000x64xf32, #tpu.memory_space<hbm>>) target(%dma_start3A_320 : memref<128x64xf32, #tpu.memory_space<vmem>>) offsets(%dma_start3A_322 : memref<128xi32, #tpu.memory_space<vmem>>) semaphore(%arg7 : memref<!tpu.dma_semaphore, #tpu.memory_space<semaphore_mem>>)
    %dma_start3A_326 = arith.constant 1536 : i32
    %dma_start3A_327 = arith.constant 0 : i32
    %dma_start3A_328 = tpu.memref_slice %arg6[%dma_start3A_326, %dma_start3A_327] : memref<1664x64xf32, #tpu.memory_space<vmem>> -> memref<128x64xf32, #tpu.memory_space<vmem>>
    %dma_start3A_329 = arith.constant 1536 : i32
    %dma_start3A_330 = tpu.memref_slice %arg5[%dma_start3A_329] : memref<1664xi32, #tpu.memory_space<vmem>> -> memref<128xi32, #tpu.memory_space<vmem>>
    %dma_start3A_331 = arith.constant 0 : i32
    %dma_start3A_332 = arith.constant 0 : i32
    %dma_start3A_333 = tpu.memref_slice %arg3[%dma_start3A_331, %dma_start3A_332] : memref<2600000x64xf32, #tpu.memory_space<hbm>> -> memref<2600000x64xf32, #tpu.memory_space<hbm>>
    tpu.enqueue_indirect_dma source(%dma_start3A_333 : memref<2600000x64xf32, #tpu.memory_space<hbm>>) target(%dma_start3A_328 : memref<128x64xf32, #tpu.memory_space<vmem>>) offsets(%dma_start3A_330 : memref<128xi32, #tpu.memory_space<vmem>>) semaphore(%arg7 : memref<!tpu.dma_semaphore, #tpu.memory_space<semaphore_mem>>)
    %dma_wait3A_334 = arith.constant 0 : i32
    %dma_wait3A_335 = arith.constant 0 : i32
    %dma_wait3A_336 = tpu.memref_slice %arg6[%dma_wait3A_334, %dma_wait3A_335] : memref<1664x64xf32, #tpu.memory_space<vmem>> -> memref<128x64xf32, #tpu.memory_space<vmem>>
    %dma_wait3A_337 = arith.constant 0 : i32
    %dma_wait3A_338 = tpu.memref_slice %arg5[%dma_wait3A_337] : memref<1664xi32, #tpu.memory_space<vmem>> -> memref<128xi32, #tpu.memory_space<vmem>>
    %dma_wait3A_339 = arith.constant 0 : i32
    %dma_wait3A_340 = arith.constant 0 : i32
    %dma_wait3A_341 = tpu.memref_slice %arg3[%dma_wait3A_339, %dma_wait3A_340] : memref<2600000x64xf32, #tpu.memory_space<hbm>> -> memref<2600000x64xf32, #tpu.memory_space<hbm>>
    tpu.wait_indirect_dma semaphore(%arg7 : memref<!tpu.dma_semaphore, #tpu.memory_space<semaphore_mem>>) src(%dma_wait3A_341 : memref<2600000x64xf32, #tpu.memory_space<hbm>>) dst(%dma_wait3A_336 : memref<128x64xf32, #tpu.memory_space<vmem>>)
    %dma_wait3A_342 = arith.constant 128 : i32
    %dma_wait3A_343 = arith.constant 0 : i32
    %dma_wait3A_344 = tpu.memref_slice %arg6[%dma_wait3A_342, %dma_wait3A_343] : memref<1664x64xf32, #tpu.memory_space<vmem>> -> memref<128x64xf32, #tpu.memory_space<vmem>>
    %dma_wait3A_345 = arith.constant 128 : i32
    %dma_wait3A_346 = tpu.memref_slice %arg5[%dma_wait3A_345] : memref<1664xi32, #tpu.memory_space<vmem>> -> memref<128xi32, #tpu.memory_space<vmem>>
    %dma_wait3A_347 = arith.constant 0 : i32
    %dma_wait3A_348 = arith.constant 0 : i32
    %dma_wait3A_349 = tpu.memref_slice %arg3[%dma_wait3A_347, %dma_wait3A_348] : memref<2600000x64xf32, #tpu.memory_space<hbm>> -> memref<2600000x64xf32, #tpu.memory_space<hbm>>
    tpu.wait_indirect_dma semaphore(%arg7 : memref<!tpu.dma_semaphore, #tpu.memory_space<semaphore_mem>>) src(%dma_wait3A_349 : memref<2600000x64xf32, #tpu.memory_space<hbm>>) dst(%dma_wait3A_344 : memref<128x64xf32, #tpu.memory_space<vmem>>)
    %dma_wait3A_350 = arith.constant 256 : i32
    %dma_wait3A_351 = arith.constant 0 : i32
    %dma_wait3A_352 = tpu.memref_slice %arg6[%dma_wait3A_350, %dma_wait3A_351] : memref<1664x64xf32, #tpu.memory_space<vmem>> -> memref<128x64xf32, #tpu.memory_space<vmem>>
    %dma_wait3A_353 = arith.constant 256 : i32
    %dma_wait3A_354 = tpu.memref_slice %arg5[%dma_wait3A_353] : memref<1664xi32, #tpu.memory_space<vmem>> -> memref<128xi32, #tpu.memory_space<vmem>>
    %dma_wait3A_355 = arith.constant 0 : i32
    %dma_wait3A_356 = arith.constant 0 : i32
    %dma_wait3A_357 = tpu.memref_slice %arg3[%dma_wait3A_355, %dma_wait3A_356] : memref<2600000x64xf32, #tpu.memory_space<hbm>> -> memref<2600000x64xf32, #tpu.memory_space<hbm>>
    tpu.wait_indirect_dma semaphore(%arg7 : memref<!tpu.dma_semaphore, #tpu.memory_space<semaphore_mem>>) src(%dma_wait3A_357 : memref<2600000x64xf32, #tpu.memory_space<hbm>>) dst(%dma_wait3A_352 : memref<128x64xf32, #tpu.memory_space<vmem>>)
    %dma_wait3A_358 = arith.constant 384 : i32
    %dma_wait3A_359 = arith.constant 0 : i32
    %dma_wait3A_360 = tpu.memref_slice %arg6[%dma_wait3A_358, %dma_wait3A_359] : memref<1664x64xf32, #tpu.memory_space<vmem>> -> memref<128x64xf32, #tpu.memory_space<vmem>>
    %dma_wait3A_361 = arith.constant 384 : i32
    %dma_wait3A_362 = tpu.memref_slice %arg5[%dma_wait3A_361] : memref<1664xi32, #tpu.memory_space<vmem>> -> memref<128xi32, #tpu.memory_space<vmem>>
    %dma_wait3A_363 = arith.constant 0 : i32
    %dma_wait3A_364 = arith.constant 0 : i32
    %dma_wait3A_365 = tpu.memref_slice %arg3[%dma_wait3A_363, %dma_wait3A_364] : memref<2600000x64xf32, #tpu.memory_space<hbm>> -> memref<2600000x64xf32, #tpu.memory_space<hbm>>
    tpu.wait_indirect_dma semaphore(%arg7 : memref<!tpu.dma_semaphore, #tpu.memory_space<semaphore_mem>>) src(%dma_wait3A_365 : memref<2600000x64xf32, #tpu.memory_space<hbm>>) dst(%dma_wait3A_360 : memref<128x64xf32, #tpu.memory_space<vmem>>)
    %dma_wait3A_366 = arith.constant 512 : i32
    %dma_wait3A_367 = arith.constant 0 : i32
    %dma_wait3A_368 = tpu.memref_slice %arg6[%dma_wait3A_366, %dma_wait3A_367] : memref<1664x64xf32, #tpu.memory_space<vmem>> -> memref<128x64xf32, #tpu.memory_space<vmem>>
    %dma_wait3A_369 = arith.constant 512 : i32
    %dma_wait3A_370 = tpu.memref_slice %arg5[%dma_wait3A_369] : memref<1664xi32, #tpu.memory_space<vmem>> -> memref<128xi32, #tpu.memory_space<vmem>>
    %dma_wait3A_371 = arith.constant 0 : i32
    %dma_wait3A_372 = arith.constant 0 : i32
    %dma_wait3A_373 = tpu.memref_slice %arg3[%dma_wait3A_371, %dma_wait3A_372] : memref<2600000x64xf32, #tpu.memory_space<hbm>> -> memref<2600000x64xf32, #tpu.memory_space<hbm>>
    tpu.wait_indirect_dma semaphore(%arg7 : memref<!tpu.dma_semaphore, #tpu.memory_space<semaphore_mem>>) src(%dma_wait3A_373 : memref<2600000x64xf32, #tpu.memory_space<hbm>>) dst(%dma_wait3A_368 : memref<128x64xf32, #tpu.memory_space<vmem>>)
    %dma_wait3A_374 = arith.constant 640 : i32
    %dma_wait3A_375 = arith.constant 0 : i32
    %dma_wait3A_376 = tpu.memref_slice %arg6[%dma_wait3A_374, %dma_wait3A_375] : memref<1664x64xf32, #tpu.memory_space<vmem>> -> memref<128x64xf32, #tpu.memory_space<vmem>>
    %dma_wait3A_377 = arith.constant 640 : i32
    %dma_wait3A_378 = tpu.memref_slice %arg5[%dma_wait3A_377] : memref<1664xi32, #tpu.memory_space<vmem>> -> memref<128xi32, #tpu.memory_space<vmem>>
    %dma_wait3A_379 = arith.constant 0 : i32
    %dma_wait3A_380 = arith.constant 0 : i32
    %dma_wait3A_381 = tpu.memref_slice %arg3[%dma_wait3A_379, %dma_wait3A_380] : memref<2600000x64xf32, #tpu.memory_space<hbm>> -> memref<2600000x64xf32, #tpu.memory_space<hbm>>
    tpu.wait_indirect_dma semaphore(%arg7 : memref<!tpu.dma_semaphore, #tpu.memory_space<semaphore_mem>>) src(%dma_wait3A_381 : memref<2600000x64xf32, #tpu.memory_space<hbm>>) dst(%dma_wait3A_376 : memref<128x64xf32, #tpu.memory_space<vmem>>)
    %dma_wait3A_382 = arith.constant 768 : i32
    %dma_wait3A_383 = arith.constant 0 : i32
    %dma_wait3A_384 = tpu.memref_slice %arg6[%dma_wait3A_382, %dma_wait3A_383] : memref<1664x64xf32, #tpu.memory_space<vmem>> -> memref<128x64xf32, #tpu.memory_space<vmem>>
    %dma_wait3A_385 = arith.constant 768 : i32
    %dma_wait3A_386 = tpu.memref_slice %arg5[%dma_wait3A_385] : memref<1664xi32, #tpu.memory_space<vmem>> -> memref<128xi32, #tpu.memory_space<vmem>>
    %dma_wait3A_387 = arith.constant 0 : i32
    %dma_wait3A_388 = arith.constant 0 : i32
    %dma_wait3A_389 = tpu.memref_slice %arg3[%dma_wait3A_387, %dma_wait3A_388] : memref<2600000x64xf32, #tpu.memory_space<hbm>> -> memref<2600000x64xf32, #tpu.memory_space<hbm>>
    tpu.wait_indirect_dma semaphore(%arg7 : memref<!tpu.dma_semaphore, #tpu.memory_space<semaphore_mem>>) src(%dma_wait3A_389 : memref<2600000x64xf32, #tpu.memory_space<hbm>>) dst(%dma_wait3A_384 : memref<128x64xf32, #tpu.memory_space<vmem>>)
    %dma_wait3A_390 = arith.constant 896 : i32
    %dma_wait3A_391 = arith.constant 0 : i32
    %dma_wait3A_392 = tpu.memref_slice %arg6[%dma_wait3A_390, %dma_wait3A_391] : memref<1664x64xf32, #tpu.memory_space<vmem>> -> memref<128x64xf32, #tpu.memory_space<vmem>>
    %dma_wait3A_393 = arith.constant 896 : i32
    %dma_wait3A_394 = tpu.memref_slice %arg5[%dma_wait3A_393] : memref<1664xi32, #tpu.memory_space<vmem>> -> memref<128xi32, #tpu.memory_space<vmem>>
    %dma_wait3A_395 = arith.constant 0 : i32
    %dma_wait3A_396 = arith.constant 0 : i32
    %dma_wait3A_397 = tpu.memref_slice %arg3[%dma_wait3A_395, %dma_wait3A_396] : memref<2600000x64xf32, #tpu.memory_space<hbm>> -> memref<2600000x64xf32, #tpu.memory_space<hbm>>
    tpu.wait_indirect_dma semaphore(%arg7 : memref<!tpu.dma_semaphore, #tpu.memory_space<semaphore_mem>>) src(%dma_wait3A_397 : memref<2600000x64xf32, #tpu.memory_space<hbm>>) dst(%dma_wait3A_392 : memref<128x64xf32, #tpu.memory_space<vmem>>)
    %dma_wait3A_398 = arith.constant 1024 : i32
    %dma_wait3A_399 = arith.constant 0 : i32
    %dma_wait3A_400 = tpu.memref_slice %arg6[%dma_wait3A_398, %dma_wait3A_399] : memref<1664x64xf32, #tpu.memory_space<vmem>> -> memref<128x64xf32, #tpu.memory_space<vmem>>
    %dma_wait3A_401 = arith.constant 1024 : i32
    %dma_wait3A_402 = tpu.memref_slice %arg5[%dma_wait3A_401] : memref<1664xi32, #tpu.memory_space<vmem>> -> memref<128xi32, #tpu.memory_space<vmem>>
    %dma_wait3A_403 = arith.constant 0 : i32
    %dma_wait3A_404 = arith.constant 0 : i32
    %dma_wait3A_405 = tpu.memref_slice %arg3[%dma_wait3A_403, %dma_wait3A_404] : memref<2600000x64xf32, #tpu.memory_space<hbm>> -> memref<2600000x64xf32, #tpu.memory_space<hbm>>
    tpu.wait_indirect_dma semaphore(%arg7 : memref<!tpu.dma_semaphore, #tpu.memory_space<semaphore_mem>>) src(%dma_wait3A_405 : memref<2600000x64xf32, #tpu.memory_space<hbm>>) dst(%dma_wait3A_400 : memref<128x64xf32, #tpu.memory_space<vmem>>)
    %dma_wait3A_406 = arith.constant 1152 : i32
    %dma_wait3A_407 = arith.constant 0 : i32
    %dma_wait3A_408 = tpu.memref_slice %arg6[%dma_wait3A_406, %dma_wait3A_407] : memref<1664x64xf32, #tpu.memory_space<vmem>> -> memref<128x64xf32, #tpu.memory_space<vmem>>
    %dma_wait3A_409 = arith.constant 1152 : i32
    %dma_wait3A_410 = tpu.memref_slice %arg5[%dma_wait3A_409] : memref<1664xi32, #tpu.memory_space<vmem>> -> memref<128xi32, #tpu.memory_space<vmem>>
    %dma_wait3A_411 = arith.constant 0 : i32
    %dma_wait3A_412 = arith.constant 0 : i32
    %dma_wait3A_413 = tpu.memref_slice %arg3[%dma_wait3A_411, %dma_wait3A_412] : memref<2600000x64xf32, #tpu.memory_space<hbm>> -> memref<2600000x64xf32, #tpu.memory_space<hbm>>
    tpu.wait_indirect_dma semaphore(%arg7 : memref<!tpu.dma_semaphore, #tpu.memory_space<semaphore_mem>>) src(%dma_wait3A_413 : memref<2600000x64xf32, #tpu.memory_space<hbm>>) dst(%dma_wait3A_408 : memref<128x64xf32, #tpu.memory_space<vmem>>)
    %dma_wait3A_414 = arith.constant 1280 : i32
    %dma_wait3A_415 = arith.constant 0 : i32
    %dma_wait3A_416 = tpu.memref_slice %arg6[%dma_wait3A_414, %dma_wait3A_415] : memref<1664x64xf32, #tpu.memory_space<vmem>> -> memref<128x64xf32, #tpu.memory_space<vmem>>
    %dma_wait3A_417 = arith.constant 1280 : i32
    %dma_wait3A_418 = tpu.memref_slice %arg5[%dma_wait3A_417] : memref<1664xi32, #tpu.memory_space<vmem>> -> memref<128xi32, #tpu.memory_space<vmem>>
    %dma_wait3A_419 = arith.constant 0 : i32
    %dma_wait3A_420 = arith.constant 0 : i32
    %dma_wait3A_421 = tpu.memref_slice %arg3[%dma_wait3A_419, %dma_wait3A_420] : memref<2600000x64xf32, #tpu.memory_space<hbm>> -> memref<2600000x64xf32, #tpu.memory_space<hbm>>
    tpu.wait_indirect_dma semaphore(%arg7 : memref<!tpu.dma_semaphore, #tpu.memory_space<semaphore_mem>>) src(%dma_wait3A_421 : memref<2600000x64xf32, #tpu.memory_space<hbm>>) dst(%dma_wait3A_416 : memref<128x64xf32, #tpu.memory_space<vmem>>)
    %dma_wait3A_422 = arith.constant 1408 : i32
    %dma_wait3A_423 = arith.constant 0 : i32
    %dma_wait3A_424 = tpu.memref_slice %arg6[%dma_wait3A_422, %dma_wait3A_423] : memref<1664x64xf32, #tpu.memory_space<vmem>> -> memref<128x64xf32, #tpu.memory_space<vmem>>
    %dma_wait3A_425 = arith.constant 1408 : i32
    %dma_wait3A_426 = tpu.memref_slice %arg5[%dma_wait3A_425] : memref<1664xi32, #tpu.memory_space<vmem>> -> memref<128xi32, #tpu.memory_space<vmem>>
    %dma_wait3A_427 = arith.constant 0 : i32
    %dma_wait3A_428 = arith.constant 0 : i32
    %dma_wait3A_429 = tpu.memref_slice %arg3[%dma_wait3A_427, %dma_wait3A_428] : memref<2600000x64xf32, #tpu.memory_space<hbm>> -> memref<2600000x64xf32, #tpu.memory_space<hbm>>
    tpu.wait_indirect_dma semaphore(%arg7 : memref<!tpu.dma_semaphore, #tpu.memory_space<semaphore_mem>>) src(%dma_wait3A_429 : memref<2600000x64xf32, #tpu.memory_space<hbm>>) dst(%dma_wait3A_424 : memref<128x64xf32, #tpu.memory_space<vmem>>)
    %dma_wait3A_430 = arith.constant 1536 : i32
    %dma_wait3A_431 = arith.constant 0 : i32
    %dma_wait3A_432 = tpu.memref_slice %arg6[%dma_wait3A_430, %dma_wait3A_431] : memref<1664x64xf32, #tpu.memory_space<vmem>> -> memref<128x64xf32, #tpu.memory_space<vmem>>
    %dma_wait3A_433 = arith.constant 1536 : i32
    %dma_wait3A_434 = tpu.memref_slice %arg5[%dma_wait3A_433] : memref<1664xi32, #tpu.memory_space<vmem>> -> memref<128xi32, #tpu.memory_space<vmem>>
    %dma_wait3A_435 = arith.constant 0 : i32
    %dma_wait3A_436 = arith.constant 0 : i32
    %dma_wait3A_437 = tpu.memref_slice %arg3[%dma_wait3A_435, %dma_wait3A_436] : memref<2600000x64xf32, #tpu.memory_space<hbm>> -> memref<2600000x64xf32, #tpu.memory_space<hbm>>
    tpu.wait_indirect_dma semaphore(%arg7 : memref<!tpu.dma_semaphore, #tpu.memory_space<semaphore_mem>>) src(%dma_wait3A_437 : memref<2600000x64xf32, #tpu.memory_space<hbm>>) dst(%dma_wait3A_432 : memref<128x64xf32, #tpu.memory_space<vmem>>)
    %mul3A_438 = arith.constant 3328 : i32
    %mul3A_439 = arith.muli %add3A, %mul3A_438 : i32
    %add3A_440 = arith.constant 1664 : i32
    %add3A_441 = arith.addi %mul3A_439, %add3A_440 : i32
    "tpu.region"() ({
      %run_scoped3A = tpu.sem_alloc : memref<!tpu.dma_semaphore, #tpu.memory_space<semaphore_mem>>
      %dma_start3A_442 = arith.constant 0 : i32
      %dma_start3A_443 = tpu.memref_slice %arg4[%add3A_441, %dma_start3A_442] : memref<106496x64xf32, #tpu.memory_space<hbm>> -> memref<1664x64xf32, #tpu.memory_space<hbm>>
      %dma_start3A_444 = arith.constant 0 : i32
      %dma_start3A_445 = tpu.memref_slice %arg4[%add3A_441, %dma_start3A_444] : memref<106496x64xf32, #tpu.memory_space<hbm>> -> memref<1664x64xf32, #tpu.memory_space<hbm>>
      tpu.enqueue_dma source(%arg6 : memref<1664x64xf32, #tpu.memory_space<vmem>>) target(%dma_start3A_445 : memref<1664x64xf32, #tpu.memory_space<hbm>>) target_semaphore(%run_scoped3A : memref<!tpu.dma_semaphore, #tpu.memory_space<semaphore_mem>>)
      %dma_wait3A_446 = arith.constant 0 : i32
      %dma_wait3A_447 = tpu.memref_slice %arg4[%add3A_441, %dma_wait3A_446] : memref<106496x64xf32, #tpu.memory_space<hbm>> -> memref<1664x64xf32, #tpu.memory_space<hbm>>
      %dma_wait3A_448 = arith.constant 0 : i32
      %dma_wait3A_449 = tpu.memref_slice %arg4[%add3A_441, %dma_wait3A_448] : memref<106496x64xf32, #tpu.memory_space<hbm>> -> memref<1664x64xf32, #tpu.memory_space<hbm>>
      tpu.wait_dma2 semaphore(%run_scoped3A : memref<!tpu.dma_semaphore, #tpu.memory_space<semaphore_mem>>) src(%arg6 : memref<1664x64xf32, #tpu.memory_space<vmem>>) dst(%dma_wait3A_449 : memref<1664x64xf32, #tpu.memory_space<hbm>>)
      tpu.yield
    }) : () -> ()
    return
  }
}

module attributes {stable_mosaic.version = 14 : i64} {
  func.func @_tc_body(%arg0: i32, %arg1: memref<256x13xf32, #tpu.memory_space<vmem>>, %arg2: memref<256x1664xf32, #tpu.memory_space<vmem>>, %arg3: memref<13x512xf32, #tpu.memory_space<vmem>>, %arg4: memref<1x512xf32, #tpu.memory_space<vmem>>, %arg5: memref<512x256xf32, #tpu.memory_space<vmem>>, %arg6: memref<1x256xf32, #tpu.memory_space<vmem>>, %arg7: memref<256x64xf32, #tpu.memory_space<vmem>>, %arg8: memref<1x64xf32, #tpu.memory_space<vmem>>, %arg9: memref<512x1024xf32, #tpu.memory_space<vmem>>, %arg10: memref<1x1024xf32, #tpu.memory_space<vmem>>, %arg11: memref<1024x1024xf32, #tpu.memory_space<vmem>>, %arg12: memref<1x1024xf32, #tpu.memory_space<vmem>>, %arg13: memref<1024x512xf32, #tpu.memory_space<vmem>>, %arg14: memref<1x512xf32, #tpu.memory_space<vmem>>, %arg15: memref<512x256xf32, #tpu.memory_space<vmem>>, %arg16: memref<1x256xf32, #tpu.memory_space<vmem>>, %arg17: memref<256x128xf32, #tpu.memory_space<vmem>>, %arg18: memref<1x128xf32, #tpu.memory_space<vmem>>, %arg19: memref<1728x27xf32, #tpu.memory_space<vmem>>, %arg20: memref<256x128xf32, #tpu.memory_space<vmem>>) attributes {dimension_semantics = [#tpu.dimension_semantics<arbitrary>], iteration_bounds = array<i64: 16>, scalar_prefetch = 0 : i64, scratch_operands = 0 : i64, tpu.core_type = #tpu.core_type<tc>, window_params = [{transform_indices = @transform_0, window_bounds = array<i64: 256, 13>}, {transform_indices = @transform_1, window_bounds = array<i64: 256, 1664>}, {pipeline_mode = #tpu.pipeline_mode<synchronous>, transform_indices = @transform_2, window_bounds = array<i64: 13, 512>}, {pipeline_mode = #tpu.pipeline_mode<synchronous>, transform_indices = @transform_3, window_bounds = array<i64: 1, 512>}, {pipeline_mode = #tpu.pipeline_mode<synchronous>, transform_indices = @transform_4, window_bounds = array<i64: 512, 256>}, {pipeline_mode = #tpu.pipeline_mode<synchronous>, transform_indices = @transform_5, window_bounds = array<i64: 1, 256>}, {pipeline_mode = #tpu.pipeline_mode<synchronous>, transform_indices = @transform_6, window_bounds = array<i64: 256, 64>}, {pipeline_mode = #tpu.pipeline_mode<synchronous>, transform_indices = @transform_7, window_bounds = array<i64: 1, 64>}, {pipeline_mode = #tpu.pipeline_mode<synchronous>, transform_indices = @transform_8, window_bounds = array<i64: 512, 1024>}, {pipeline_mode = #tpu.pipeline_mode<synchronous>, transform_indices = @transform_9, window_bounds = array<i64: 1, 1024>}, {pipeline_mode = #tpu.pipeline_mode<synchronous>, transform_indices = @transform_10, window_bounds = array<i64: 1024, 1024>}, {pipeline_mode = #tpu.pipeline_mode<synchronous>, transform_indices = @transform_11, window_bounds = array<i64: 1, 1024>}, {pipeline_mode = #tpu.pipeline_mode<synchronous>, transform_indices = @transform_12, window_bounds = array<i64: 1024, 512>}, {pipeline_mode = #tpu.pipeline_mode<synchronous>, transform_indices = @transform_13, window_bounds = array<i64: 1, 512>}, {pipeline_mode = #tpu.pipeline_mode<synchronous>, transform_indices = @transform_14, window_bounds = array<i64: 512, 256>}, {pipeline_mode = #tpu.pipeline_mode<synchronous>, transform_indices = @transform_15, window_bounds = array<i64: 1, 256>}, {pipeline_mode = #tpu.pipeline_mode<synchronous>, transform_indices = @transform_16, window_bounds = array<i64: 256, 128>}, {pipeline_mode = #tpu.pipeline_mode<synchronous>, transform_indices = @transform_17, window_bounds = array<i64: 1, 128>}, {pipeline_mode = #tpu.pipeline_mode<synchronous>, transform_indices = @transform_18, window_bounds = array<i64: 1728, 27>}, {transform_indices = @transform_19, window_bounds = array<i64: 256, 128>}]} {
    %get3A = arith.constant 0 : index
    %get3A_0 = arith.constant 0 : index
    %get3A_1 = vector.load %arg1[%get3A, %get3A_0] : memref<256x13xf32, #tpu.memory_space<vmem>>, vector<256x13xf32>
    %get3A_2 = arith.constant 0 : index
    %get3A_3 = arith.constant 0 : index
    %get3A_4 = vector.load %arg3[%get3A_2, %get3A_3] : memref<13x512xf32, #tpu.memory_space<vmem>>, vector<13x512xf32>
    %dot_general3A = arith.constant dense<0.000000e+00> : vector<256x512xf32>
    %dot_general3A_5 = tpu.matmul %get3A_1, %get3A_4, %dot_general3A {dimension_numbers = #tpu.dot_dimension_numbers<[1], [0], [0], [1], [0, 0, 1, 1], [], []>, transpose_lhs_hint = false} : vector<256x13xf32>, vector<13x512xf32>, vector<256x512xf32> -> vector<256x512xf32>
    %get3A_6 = arith.constant 0 : index
    %get3A_7 = arith.constant 0 : index
    %get3A_8 = vector.load %arg4[%get3A_6, %get3A_7] : memref<1x512xf32, #tpu.memory_space<vmem>>, vector<1x512xf32>
    %add3A = vector.broadcast %get3A_8 : vector<1x512xf32> to vector<256x512xf32>
    %add3A_9 = arith.addf %dot_general3A_5, %add3A : vector<256x512xf32>
    %max3A = arith.constant 0.000000e+00 : f32
    %max3A_10 = vector.broadcast %max3A : f32 to vector<256x512xf32>
    %max3A_11 = arith.maximumf %add3A_9, %max3A_10 : vector<256x512xf32>
    %get3A_12 = arith.constant 0 : index
    %get3A_13 = arith.constant 0 : index
    %get3A_14 = vector.load %arg5[%get3A_12, %get3A_13] : memref<512x256xf32, #tpu.memory_space<vmem>>, vector<512x256xf32>
    %dot_general3A_15 = arith.constant dense<0.000000e+00> : vector<256x256xf32>
    %dot_general3A_16 = tpu.matmul %max3A_11, %get3A_14, %dot_general3A_15 {dimension_numbers = #tpu.dot_dimension_numbers<[1], [0], [0], [1], [0, 0, 1, 1], [], []>, transpose_lhs_hint = false} : vector<256x512xf32>, vector<512x256xf32>, vector<256x256xf32> -> vector<256x256xf32>
    %get3A_17 = arith.constant 0 : index
    %get3A_18 = arith.constant 0 : index
    %get3A_19 = vector.load %arg6[%get3A_17, %get3A_18] : memref<1x256xf32, #tpu.memory_space<vmem>>, vector<1x256xf32>
    %add3A_20 = vector.broadcast %get3A_19 : vector<1x256xf32> to vector<256x256xf32>
    %add3A_21 = arith.addf %dot_general3A_16, %add3A_20 : vector<256x256xf32>
    %max3A_22 = arith.constant 0.000000e+00 : f32
    %max3A_23 = vector.broadcast %max3A_22 : f32 to vector<256x256xf32>
    %max3A_24 = arith.maximumf %add3A_21, %max3A_23 : vector<256x256xf32>
    %get3A_25 = arith.constant 0 : index
    %get3A_26 = arith.constant 0 : index
    %get3A_27 = vector.load %arg7[%get3A_25, %get3A_26] : memref<256x64xf32, #tpu.memory_space<vmem>>, vector<256x64xf32>
    %dot_general3A_28 = arith.constant dense<0.000000e+00> : vector<256x64xf32>
    %dot_general3A_29 = tpu.matmul %max3A_24, %get3A_27, %dot_general3A_28 {dimension_numbers = #tpu.dot_dimension_numbers<[1], [0], [0], [1], [0, 0, 1, 1], [], []>, transpose_lhs_hint = false} : vector<256x256xf32>, vector<256x64xf32>, vector<256x64xf32> -> vector<256x64xf32>
    %get3A_30 = arith.constant 0 : index
    %get3A_31 = arith.constant 0 : index
    %get3A_32 = vector.load %arg8[%get3A_30, %get3A_31] : memref<1x64xf32, #tpu.memory_space<vmem>>, vector<1x64xf32>
    %add3A_33 = vector.broadcast %get3A_32 : vector<1x64xf32> to vector<256x64xf32>
    %add3A_34 = arith.addf %dot_general3A_29, %add3A_33 : vector<256x64xf32>
    %max3A_35 = arith.constant 0.000000e+00 : f32
    %max3A_36 = vector.broadcast %max3A_35 : f32 to vector<256x64xf32>
    %max3A_37 = arith.maximumf %add3A_34, %max3A_36 : vector<256x64xf32>
    %get3A_38 = arith.constant 0 : index
    %get3A_39 = arith.constant 0 : index
    %get3A_40 = vector.load %arg2[%get3A_38, %get3A_39] : memref<256x1664xf32, #tpu.memory_space<vmem>>, vector<256x1664xf32>
    %concatenate3A = tpu.concatenate %max3A_37, %get3A_40 in 1 : vector<256x64xf32>, vector<256x1664xf32> -> vector<256x1728xf32>
    %get3A_41 = arith.constant 0 : index
    %get3A_42 = arith.constant 0 : index
    %get3A_43 = vector.load %arg19[%get3A_41, %get3A_42] : memref<1728x27xf32, #tpu.memory_space<vmem>>, vector<1728x27xf32>
    %slice3A = vector.extract_strided_slice %concatenate3A {offsets = [0, 64], sizes = [256, 64], strides = [1, 1]} : vector<256x1728xf32> to vector<256x64xf32>
    %concatenate3A_44 = tpu.concatenate %slice3A, %slice3A, %slice3A, %slice3A, %slice3A, %slice3A, %slice3A, %slice3A, %slice3A, %slice3A, %slice3A, %slice3A, %slice3A, %slice3A, %slice3A, %slice3A, %slice3A, %slice3A, %slice3A, %slice3A, %slice3A, %slice3A, %slice3A, %slice3A, %slice3A, %slice3A, %slice3A in 1 : vector<256x64xf32>, vector<256x64xf32>, vector<256x64xf32>, vector<256x64xf32>, vector<256x64xf32>, vector<256x64xf32>, vector<256x64xf32>, vector<256x64xf32>, vector<256x64xf32>, vector<256x64xf32>, vector<256x64xf32>, vector<256x64xf32>, vector<256x64xf32>, vector<256x64xf32>, vector<256x64xf32>, vector<256x64xf32>, vector<256x64xf32>, vector<256x64xf32>, vector<256x64xf32>, vector<256x64xf32>, vector<256x64xf32>, vector<256x64xf32>, vector<256x64xf32>, vector<256x64xf32>, vector<256x64xf32>, vector<256x64xf32>, vector<256x64xf32> -> vector<256x1728xf32>
    %mul3A = arith.mulf %concatenate3A, %concatenate3A_44 : vector<256x1728xf32>
    %dot_general3A_45 = arith.constant dense<0.000000e+00> : vector<256x27xf32>
    %dot_general3A_46 = tpu.matmul %mul3A, %get3A_43, %dot_general3A_45 {dimension_numbers = #tpu.dot_dimension_numbers<[1], [0], [0], [1], [0, 0, 1, 1], [], []>, transpose_lhs_hint = false} : vector<256x1728xf32>, vector<1728x27xf32>, vector<256x27xf32> -> vector<256x27xf32>
    %slice3A_47 = vector.extract_strided_slice %dot_general3A_46 {offsets = [0, 0], sizes = [256, 1], strides = [1, 1]} : vector<256x27xf32> to vector<256x1xf32>
    %slice3A_48 = vector.extract_strided_slice %concatenate3A {offsets = [0, 128], sizes = [256, 64], strides = [1, 1]} : vector<256x1728xf32> to vector<256x64xf32>
    %concatenate3A_49 = tpu.concatenate %slice3A_48, %slice3A_48, %slice3A_48, %slice3A_48, %slice3A_48, %slice3A_48, %slice3A_48, %slice3A_48, %slice3A_48, %slice3A_48, %slice3A_48, %slice3A_48, %slice3A_48, %slice3A_48, %slice3A_48, %slice3A_48, %slice3A_48, %slice3A_48, %slice3A_48, %slice3A_48, %slice3A_48, %slice3A_48, %slice3A_48, %slice3A_48, %slice3A_48, %slice3A_48, %slice3A_48 in 1 : vector<256x64xf32>, vector<256x64xf32>, vector<256x64xf32>, vector<256x64xf32>, vector<256x64xf32>, vector<256x64xf32>, vector<256x64xf32>, vector<256x64xf32>, vector<256x64xf32>, vector<256x64xf32>, vector<256x64xf32>, vector<256x64xf32>, vector<256x64xf32>, vector<256x64xf32>, vector<256x64xf32>, vector<256x64xf32>, vector<256x64xf32>, vector<256x64xf32>, vector<256x64xf32>, vector<256x64xf32>, vector<256x64xf32>, vector<256x64xf32>, vector<256x64xf32>, vector<256x64xf32>, vector<256x64xf32>, vector<256x64xf32>, vector<256x64xf32> -> vector<256x1728xf32>
    %mul3A_50 = arith.mulf %concatenate3A, %concatenate3A_49 : vector<256x1728xf32>
    %dot_general3A_51 = arith.constant dense<0.000000e+00> : vector<256x27xf32>
    %dot_general3A_52 = tpu.matmul %mul3A_50, %get3A_43, %dot_general3A_51 {dimension_numbers = #tpu.dot_dimension_numbers<[1], [0], [0], [1], [0, 0, 1, 1], [], []>, transpose_lhs_hint = false} : vector<256x1728xf32>, vector<1728x27xf32>, vector<256x27xf32> -> vector<256x27xf32>
    %slice3A_53 = vector.extract_strided_slice %dot_general3A_52 {offsets = [0, 0], sizes = [256, 2], strides = [1, 1]} : vector<256x27xf32> to vector<256x2xf32>
    %slice3A_54 = vector.extract_strided_slice %concatenate3A {offsets = [0, 192], sizes = [256, 64], strides = [1, 1]} : vector<256x1728xf32> to vector<256x64xf32>
    %concatenate3A_55 = tpu.concatenate %slice3A_54, %slice3A_54, %slice3A_54, %slice3A_54, %slice3A_54, %slice3A_54, %slice3A_54, %slice3A_54, %slice3A_54, %slice3A_54, %slice3A_54, %slice3A_54, %slice3A_54, %slice3A_54, %slice3A_54, %slice3A_54, %slice3A_54, %slice3A_54, %slice3A_54, %slice3A_54, %slice3A_54, %slice3A_54, %slice3A_54, %slice3A_54, %slice3A_54, %slice3A_54, %slice3A_54 in 1 : vector<256x64xf32>, vector<256x64xf32>, vector<256x64xf32>, vector<256x64xf32>, vector<256x64xf32>, vector<256x64xf32>, vector<256x64xf32>, vector<256x64xf32>, vector<256x64xf32>, vector<256x64xf32>, vector<256x64xf32>, vector<256x64xf32>, vector<256x64xf32>, vector<256x64xf32>, vector<256x64xf32>, vector<256x64xf32>, vector<256x64xf32>, vector<256x64xf32>, vector<256x64xf32>, vector<256x64xf32>, vector<256x64xf32>, vector<256x64xf32>, vector<256x64xf32>, vector<256x64xf32>, vector<256x64xf32>, vector<256x64xf32>, vector<256x64xf32> -> vector<256x1728xf32>
    %mul3A_56 = arith.mulf %concatenate3A, %concatenate3A_55 : vector<256x1728xf32>
    %dot_general3A_57 = arith.constant dense<0.000000e+00> : vector<256x27xf32>
    %dot_general3A_58 = tpu.matmul %mul3A_56, %get3A_43, %dot_general3A_57 {dimension_numbers = #tpu.dot_dimension_numbers<[1], [0], [0], [1], [0, 0, 1, 1], [], []>, transpose_lhs_hint = false} : vector<256x1728xf32>, vector<1728x27xf32>, vector<256x27xf32> -> vector<256x27xf32>
    %slice3A_59 = vector.extract_strided_slice %dot_general3A_58 {offsets = [0, 0], sizes = [256, 3], strides = [1, 1]} : vector<256x27xf32> to vector<256x3xf32>
    %slice3A_60 = vector.extract_strided_slice %concatenate3A {offsets = [0, 256], sizes = [256, 64], strides = [1, 1]} : vector<256x1728xf32> to vector<256x64xf32>
    %concatenate3A_61 = tpu.concatenate %slice3A_60, %slice3A_60, %slice3A_60, %slice3A_60, %slice3A_60, %slice3A_60, %slice3A_60, %slice3A_60, %slice3A_60, %slice3A_60, %slice3A_60, %slice3A_60, %slice3A_60, %slice3A_60, %slice3A_60, %slice3A_60, %slice3A_60, %slice3A_60, %slice3A_60, %slice3A_60, %slice3A_60, %slice3A_60, %slice3A_60, %slice3A_60, %slice3A_60, %slice3A_60, %slice3A_60 in 1 : vector<256x64xf32>, vector<256x64xf32>, vector<256x64xf32>, vector<256x64xf32>, vector<256x64xf32>, vector<256x64xf32>, vector<256x64xf32>, vector<256x64xf32>, vector<256x64xf32>, vector<256x64xf32>, vector<256x64xf32>, vector<256x64xf32>, vector<256x64xf32>, vector<256x64xf32>, vector<256x64xf32>, vector<256x64xf32>, vector<256x64xf32>, vector<256x64xf32>, vector<256x64xf32>, vector<256x64xf32>, vector<256x64xf32>, vector<256x64xf32>, vector<256x64xf32>, vector<256x64xf32>, vector<256x64xf32>, vector<256x64xf32>, vector<256x64xf32> -> vector<256x1728xf32>
    %mul3A_62 = arith.mulf %concatenate3A, %concatenate3A_61 : vector<256x1728xf32>
    %dot_general3A_63 = arith.constant dense<0.000000e+00> : vector<256x27xf32>
    %dot_general3A_64 = tpu.matmul %mul3A_62, %get3A_43, %dot_general3A_63 {dimension_numbers = #tpu.dot_dimension_numbers<[1], [0], [0], [1], [0, 0, 1, 1], [], []>, transpose_lhs_hint = false} : vector<256x1728xf32>, vector<1728x27xf32>, vector<256x27xf32> -> vector<256x27xf32>
    %slice3A_65 = vector.extract_strided_slice %dot_general3A_64 {offsets = [0, 0], sizes = [256, 4], strides = [1, 1]} : vector<256x27xf32> to vector<256x4xf32>
    %slice3A_66 = vector.extract_strided_slice %concatenate3A {offsets = [0, 320], sizes = [256, 64], strides = [1, 1]} : vector<256x1728xf32> to vector<256x64xf32>
    %concatenate3A_67 = tpu.concatenate %slice3A_66, %slice3A_66, %slice3A_66, %slice3A_66, %slice3A_66, %slice3A_66, %slice3A_66, %slice3A_66, %slice3A_66, %slice3A_66, %slice3A_66, %slice3A_66, %slice3A_66, %slice3A_66, %slice3A_66, %slice3A_66, %slice3A_66, %slice3A_66, %slice3A_66, %slice3A_66, %slice3A_66, %slice3A_66, %slice3A_66, %slice3A_66, %slice3A_66, %slice3A_66, %slice3A_66 in 1 : vector<256x64xf32>, vector<256x64xf32>, vector<256x64xf32>, vector<256x64xf32>, vector<256x64xf32>, vector<256x64xf32>, vector<256x64xf32>, vector<256x64xf32>, vector<256x64xf32>, vector<256x64xf32>, vector<256x64xf32>, vector<256x64xf32>, vector<256x64xf32>, vector<256x64xf32>, vector<256x64xf32>, vector<256x64xf32>, vector<256x64xf32>, vector<256x64xf32>, vector<256x64xf32>, vector<256x64xf32>, vector<256x64xf32>, vector<256x64xf32>, vector<256x64xf32>, vector<256x64xf32>, vector<256x64xf32>, vector<256x64xf32>, vector<256x64xf32> -> vector<256x1728xf32>
    %mul3A_68 = arith.mulf %concatenate3A, %concatenate3A_67 : vector<256x1728xf32>
    %dot_general3A_69 = arith.constant dense<0.000000e+00> : vector<256x27xf32>
    %dot_general3A_70 = tpu.matmul %mul3A_68, %get3A_43, %dot_general3A_69 {dimension_numbers = #tpu.dot_dimension_numbers<[1], [0], [0], [1], [0, 0, 1, 1], [], []>, transpose_lhs_hint = false} : vector<256x1728xf32>, vector<1728x27xf32>, vector<256x27xf32> -> vector<256x27xf32>
    %slice3A_71 = vector.extract_strided_slice %dot_general3A_70 {offsets = [0, 0], sizes = [256, 5], strides = [1, 1]} : vector<256x27xf32> to vector<256x5xf32>
    %slice3A_72 = vector.extract_strided_slice %concatenate3A {offsets = [0, 384], sizes = [256, 64], strides = [1, 1]} : vector<256x1728xf32> to vector<256x64xf32>
    %concatenate3A_73 = tpu.concatenate %slice3A_72, %slice3A_72, %slice3A_72, %slice3A_72, %slice3A_72, %slice3A_72, %slice3A_72, %slice3A_72, %slice3A_72, %slice3A_72, %slice3A_72, %slice3A_72, %slice3A_72, %slice3A_72, %slice3A_72, %slice3A_72, %slice3A_72, %slice3A_72, %slice3A_72, %slice3A_72, %slice3A_72, %slice3A_72, %slice3A_72, %slice3A_72, %slice3A_72, %slice3A_72, %slice3A_72 in 1 : vector<256x64xf32>, vector<256x64xf32>, vector<256x64xf32>, vector<256x64xf32>, vector<256x64xf32>, vector<256x64xf32>, vector<256x64xf32>, vector<256x64xf32>, vector<256x64xf32>, vector<256x64xf32>, vector<256x64xf32>, vector<256x64xf32>, vector<256x64xf32>, vector<256x64xf32>, vector<256x64xf32>, vector<256x64xf32>, vector<256x64xf32>, vector<256x64xf32>, vector<256x64xf32>, vector<256x64xf32>, vector<256x64xf32>, vector<256x64xf32>, vector<256x64xf32>, vector<256x64xf32>, vector<256x64xf32>, vector<256x64xf32>, vector<256x64xf32> -> vector<256x1728xf32>
    %mul3A_74 = arith.mulf %concatenate3A, %concatenate3A_73 : vector<256x1728xf32>
    %dot_general3A_75 = arith.constant dense<0.000000e+00> : vector<256x27xf32>
    %dot_general3A_76 = tpu.matmul %mul3A_74, %get3A_43, %dot_general3A_75 {dimension_numbers = #tpu.dot_dimension_numbers<[1], [0], [0], [1], [0, 0, 1, 1], [], []>, transpose_lhs_hint = false} : vector<256x1728xf32>, vector<1728x27xf32>, vector<256x27xf32> -> vector<256x27xf32>
    %slice3A_77 = vector.extract_strided_slice %dot_general3A_76 {offsets = [0, 0], sizes = [256, 6], strides = [1, 1]} : vector<256x27xf32> to vector<256x6xf32>
    %slice3A_78 = vector.extract_strided_slice %concatenate3A {offsets = [0, 448], sizes = [256, 64], strides = [1, 1]} : vector<256x1728xf32> to vector<256x64xf32>
    %concatenate3A_79 = tpu.concatenate %slice3A_78, %slice3A_78, %slice3A_78, %slice3A_78, %slice3A_78, %slice3A_78, %slice3A_78, %slice3A_78, %slice3A_78, %slice3A_78, %slice3A_78, %slice3A_78, %slice3A_78, %slice3A_78, %slice3A_78, %slice3A_78, %slice3A_78, %slice3A_78, %slice3A_78, %slice3A_78, %slice3A_78, %slice3A_78, %slice3A_78, %slice3A_78, %slice3A_78, %slice3A_78, %slice3A_78 in 1 : vector<256x64xf32>, vector<256x64xf32>, vector<256x64xf32>, vector<256x64xf32>, vector<256x64xf32>, vector<256x64xf32>, vector<256x64xf32>, vector<256x64xf32>, vector<256x64xf32>, vector<256x64xf32>, vector<256x64xf32>, vector<256x64xf32>, vector<256x64xf32>, vector<256x64xf32>, vector<256x64xf32>, vector<256x64xf32>, vector<256x64xf32>, vector<256x64xf32>, vector<256x64xf32>, vector<256x64xf32>, vector<256x64xf32>, vector<256x64xf32>, vector<256x64xf32>, vector<256x64xf32>, vector<256x64xf32>, vector<256x64xf32>, vector<256x64xf32> -> vector<256x1728xf32>
    %mul3A_80 = arith.mulf %concatenate3A, %concatenate3A_79 : vector<256x1728xf32>
    %dot_general3A_81 = arith.constant dense<0.000000e+00> : vector<256x27xf32>
    %dot_general3A_82 = tpu.matmul %mul3A_80, %get3A_43, %dot_general3A_81 {dimension_numbers = #tpu.dot_dimension_numbers<[1], [0], [0], [1], [0, 0, 1, 1], [], []>, transpose_lhs_hint = false} : vector<256x1728xf32>, vector<1728x27xf32>, vector<256x27xf32> -> vector<256x27xf32>
    %slice3A_83 = vector.extract_strided_slice %dot_general3A_82 {offsets = [0, 0], sizes = [256, 7], strides = [1, 1]} : vector<256x27xf32> to vector<256x7xf32>
    %slice3A_84 = vector.extract_strided_slice %concatenate3A {offsets = [0, 512], sizes = [256, 64], strides = [1, 1]} : vector<256x1728xf32> to vector<256x64xf32>
    %concatenate3A_85 = tpu.concatenate %slice3A_84, %slice3A_84, %slice3A_84, %slice3A_84, %slice3A_84, %slice3A_84, %slice3A_84, %slice3A_84, %slice3A_84, %slice3A_84, %slice3A_84, %slice3A_84, %slice3A_84, %slice3A_84, %slice3A_84, %slice3A_84, %slice3A_84, %slice3A_84, %slice3A_84, %slice3A_84, %slice3A_84, %slice3A_84, %slice3A_84, %slice3A_84, %slice3A_84, %slice3A_84, %slice3A_84 in 1 : vector<256x64xf32>, vector<256x64xf32>, vector<256x64xf32>, vector<256x64xf32>, vector<256x64xf32>, vector<256x64xf32>, vector<256x64xf32>, vector<256x64xf32>, vector<256x64xf32>, vector<256x64xf32>, vector<256x64xf32>, vector<256x64xf32>, vector<256x64xf32>, vector<256x64xf32>, vector<256x64xf32>, vector<256x64xf32>, vector<256x64xf32>, vector<256x64xf32>, vector<256x64xf32>, vector<256x64xf32>, vector<256x64xf32>, vector<256x64xf32>, vector<256x64xf32>, vector<256x64xf32>, vector<256x64xf32>, vector<256x64xf32>, vector<256x64xf32> -> vector<256x1728xf32>
    %mul3A_86 = arith.mulf %concatenate3A, %concatenate3A_85 : vector<256x1728xf32>
    %dot_general3A_87 = arith.constant dense<0.000000e+00> : vector<256x27xf32>
    %dot_general3A_88 = tpu.matmul %mul3A_86, %get3A_43, %dot_general3A_87 {dimension_numbers = #tpu.dot_dimension_numbers<[1], [0], [0], [1], [0, 0, 1, 1], [], []>, transpose_lhs_hint = false} : vector<256x1728xf32>, vector<1728x27xf32>, vector<256x27xf32> -> vector<256x27xf32>
    %slice3A_89 = vector.extract_strided_slice %dot_general3A_88 {offsets = [0, 0], sizes = [256, 8], strides = [1, 1]} : vector<256x27xf32> to vector<256x8xf32>
    %slice3A_90 = vector.extract_strided_slice %concatenate3A {offsets = [0, 576], sizes = [256, 64], strides = [1, 1]} : vector<256x1728xf32> to vector<256x64xf32>
    %concatenate3A_91 = tpu.concatenate %slice3A_90, %slice3A_90, %slice3A_90, %slice3A_90, %slice3A_90, %slice3A_90, %slice3A_90, %slice3A_90, %slice3A_90, %slice3A_90, %slice3A_90, %slice3A_90, %slice3A_90, %slice3A_90, %slice3A_90, %slice3A_90, %slice3A_90, %slice3A_90, %slice3A_90, %slice3A_90, %slice3A_90, %slice3A_90, %slice3A_90, %slice3A_90, %slice3A_90, %slice3A_90, %slice3A_90 in 1 : vector<256x64xf32>, vector<256x64xf32>, vector<256x64xf32>, vector<256x64xf32>, vector<256x64xf32>, vector<256x64xf32>, vector<256x64xf32>, vector<256x64xf32>, vector<256x64xf32>, vector<256x64xf32>, vector<256x64xf32>, vector<256x64xf32>, vector<256x64xf32>, vector<256x64xf32>, vector<256x64xf32>, vector<256x64xf32>, vector<256x64xf32>, vector<256x64xf32>, vector<256x64xf32>, vector<256x64xf32>, vector<256x64xf32>, vector<256x64xf32>, vector<256x64xf32>, vector<256x64xf32>, vector<256x64xf32>, vector<256x64xf32>, vector<256x64xf32> -> vector<256x1728xf32>
    %mul3A_92 = arith.mulf %concatenate3A, %concatenate3A_91 : vector<256x1728xf32>
    %dot_general3A_93 = arith.constant dense<0.000000e+00> : vector<256x27xf32>
    %dot_general3A_94 = tpu.matmul %mul3A_92, %get3A_43, %dot_general3A_93 {dimension_numbers = #tpu.dot_dimension_numbers<[1], [0], [0], [1], [0, 0, 1, 1], [], []>, transpose_lhs_hint = false} : vector<256x1728xf32>, vector<1728x27xf32>, vector<256x27xf32> -> vector<256x27xf32>
    %slice3A_95 = vector.extract_strided_slice %dot_general3A_94 {offsets = [0, 0], sizes = [256, 9], strides = [1, 1]} : vector<256x27xf32> to vector<256x9xf32>
    %slice3A_96 = vector.extract_strided_slice %concatenate3A {offsets = [0, 640], sizes = [256, 64], strides = [1, 1]} : vector<256x1728xf32> to vector<256x64xf32>
    %concatenate3A_97 = tpu.concatenate %slice3A_96, %slice3A_96, %slice3A_96, %slice3A_96, %slice3A_96, %slice3A_96, %slice3A_96, %slice3A_96, %slice3A_96, %slice3A_96, %slice3A_96, %slice3A_96, %slice3A_96, %slice3A_96, %slice3A_96, %slice3A_96, %slice3A_96, %slice3A_96, %slice3A_96, %slice3A_96, %slice3A_96, %slice3A_96, %slice3A_96, %slice3A_96, %slice3A_96, %slice3A_96, %slice3A_96 in 1 : vector<256x64xf32>, vector<256x64xf32>, vector<256x64xf32>, vector<256x64xf32>, vector<256x64xf32>, vector<256x64xf32>, vector<256x64xf32>, vector<256x64xf32>, vector<256x64xf32>, vector<256x64xf32>, vector<256x64xf32>, vector<256x64xf32>, vector<256x64xf32>, vector<256x64xf32>, vector<256x64xf32>, vector<256x64xf32>, vector<256x64xf32>, vector<256x64xf32>, vector<256x64xf32>, vector<256x64xf32>, vector<256x64xf32>, vector<256x64xf32>, vector<256x64xf32>, vector<256x64xf32>, vector<256x64xf32>, vector<256x64xf32>, vector<256x64xf32> -> vector<256x1728xf32>
    %mul3A_98 = arith.mulf %concatenate3A, %concatenate3A_97 : vector<256x1728xf32>
    %dot_general3A_99 = arith.constant dense<0.000000e+00> : vector<256x27xf32>
    %dot_general3A_100 = tpu.matmul %mul3A_98, %get3A_43, %dot_general3A_99 {dimension_numbers = #tpu.dot_dimension_numbers<[1], [0], [0], [1], [0, 0, 1, 1], [], []>, transpose_lhs_hint = false} : vector<256x1728xf32>, vector<1728x27xf32>, vector<256x27xf32> -> vector<256x27xf32>
    %slice3A_101 = vector.extract_strided_slice %dot_general3A_100 {offsets = [0, 0], sizes = [256, 10], strides = [1, 1]} : vector<256x27xf32> to vector<256x10xf32>
    %slice3A_102 = vector.extract_strided_slice %concatenate3A {offsets = [0, 704], sizes = [256, 64], strides = [1, 1]} : vector<256x1728xf32> to vector<256x64xf32>
    %concatenate3A_103 = tpu.concatenate %slice3A_102, %slice3A_102, %slice3A_102, %slice3A_102, %slice3A_102, %slice3A_102, %slice3A_102, %slice3A_102, %slice3A_102, %slice3A_102, %slice3A_102, %slice3A_102, %slice3A_102, %slice3A_102, %slice3A_102, %slice3A_102, %slice3A_102, %slice3A_102, %slice3A_102, %slice3A_102, %slice3A_102, %slice3A_102, %slice3A_102, %slice3A_102, %slice3A_102, %slice3A_102, %slice3A_102 in 1 : vector<256x64xf32>, vector<256x64xf32>, vector<256x64xf32>, vector<256x64xf32>, vector<256x64xf32>, vector<256x64xf32>, vector<256x64xf32>, vector<256x64xf32>, vector<256x64xf32>, vector<256x64xf32>, vector<256x64xf32>, vector<256x64xf32>, vector<256x64xf32>, vector<256x64xf32>, vector<256x64xf32>, vector<256x64xf32>, vector<256x64xf32>, vector<256x64xf32>, vector<256x64xf32>, vector<256x64xf32>, vector<256x64xf32>, vector<256x64xf32>, vector<256x64xf32>, vector<256x64xf32>, vector<256x64xf32>, vector<256x64xf32>, vector<256x64xf32> -> vector<256x1728xf32>
    %mul3A_104 = arith.mulf %concatenate3A, %concatenate3A_103 : vector<256x1728xf32>
    %dot_general3A_105 = arith.constant dense<0.000000e+00> : vector<256x27xf32>
    %dot_general3A_106 = tpu.matmul %mul3A_104, %get3A_43, %dot_general3A_105 {dimension_numbers = #tpu.dot_dimension_numbers<[1], [0], [0], [1], [0, 0, 1, 1], [], []>, transpose_lhs_hint = false} : vector<256x1728xf32>, vector<1728x27xf32>, vector<256x27xf32> -> vector<256x27xf32>
    %slice3A_107 = vector.extract_strided_slice %dot_general3A_106 {offsets = [0, 0], sizes = [256, 11], strides = [1, 1]} : vector<256x27xf32> to vector<256x11xf32>
    %slice3A_108 = vector.extract_strided_slice %concatenate3A {offsets = [0, 768], sizes = [256, 64], strides = [1, 1]} : vector<256x1728xf32> to vector<256x64xf32>
    %concatenate3A_109 = tpu.concatenate %slice3A_108, %slice3A_108, %slice3A_108, %slice3A_108, %slice3A_108, %slice3A_108, %slice3A_108, %slice3A_108, %slice3A_108, %slice3A_108, %slice3A_108, %slice3A_108, %slice3A_108, %slice3A_108, %slice3A_108, %slice3A_108, %slice3A_108, %slice3A_108, %slice3A_108, %slice3A_108, %slice3A_108, %slice3A_108, %slice3A_108, %slice3A_108, %slice3A_108, %slice3A_108, %slice3A_108 in 1 : vector<256x64xf32>, vector<256x64xf32>, vector<256x64xf32>, vector<256x64xf32>, vector<256x64xf32>, vector<256x64xf32>, vector<256x64xf32>, vector<256x64xf32>, vector<256x64xf32>, vector<256x64xf32>, vector<256x64xf32>, vector<256x64xf32>, vector<256x64xf32>, vector<256x64xf32>, vector<256x64xf32>, vector<256x64xf32>, vector<256x64xf32>, vector<256x64xf32>, vector<256x64xf32>, vector<256x64xf32>, vector<256x64xf32>, vector<256x64xf32>, vector<256x64xf32>, vector<256x64xf32>, vector<256x64xf32>, vector<256x64xf32>, vector<256x64xf32> -> vector<256x1728xf32>
    %mul3A_110 = arith.mulf %concatenate3A, %concatenate3A_109 : vector<256x1728xf32>
    %dot_general3A_111 = arith.constant dense<0.000000e+00> : vector<256x27xf32>
    %dot_general3A_112 = tpu.matmul %mul3A_110, %get3A_43, %dot_general3A_111 {dimension_numbers = #tpu.dot_dimension_numbers<[1], [0], [0], [1], [0, 0, 1, 1], [], []>, transpose_lhs_hint = false} : vector<256x1728xf32>, vector<1728x27xf32>, vector<256x27xf32> -> vector<256x27xf32>
    %slice3A_113 = vector.extract_strided_slice %dot_general3A_112 {offsets = [0, 0], sizes = [256, 12], strides = [1, 1]} : vector<256x27xf32> to vector<256x12xf32>
    %slice3A_114 = vector.extract_strided_slice %concatenate3A {offsets = [0, 832], sizes = [256, 64], strides = [1, 1]} : vector<256x1728xf32> to vector<256x64xf32>
    %concatenate3A_115 = tpu.concatenate %slice3A_114, %slice3A_114, %slice3A_114, %slice3A_114, %slice3A_114, %slice3A_114, %slice3A_114, %slice3A_114, %slice3A_114, %slice3A_114, %slice3A_114, %slice3A_114, %slice3A_114, %slice3A_114, %slice3A_114, %slice3A_114, %slice3A_114, %slice3A_114, %slice3A_114, %slice3A_114, %slice3A_114, %slice3A_114, %slice3A_114, %slice3A_114, %slice3A_114, %slice3A_114, %slice3A_114 in 1 : vector<256x64xf32>, vector<256x64xf32>, vector<256x64xf32>, vector<256x64xf32>, vector<256x64xf32>, vector<256x64xf32>, vector<256x64xf32>, vector<256x64xf32>, vector<256x64xf32>, vector<256x64xf32>, vector<256x64xf32>, vector<256x64xf32>, vector<256x64xf32>, vector<256x64xf32>, vector<256x64xf32>, vector<256x64xf32>, vector<256x64xf32>, vector<256x64xf32>, vector<256x64xf32>, vector<256x64xf32>, vector<256x64xf32>, vector<256x64xf32>, vector<256x64xf32>, vector<256x64xf32>, vector<256x64xf32>, vector<256x64xf32>, vector<256x64xf32> -> vector<256x1728xf32>
    %mul3A_116 = arith.mulf %concatenate3A, %concatenate3A_115 : vector<256x1728xf32>
    %dot_general3A_117 = arith.constant dense<0.000000e+00> : vector<256x27xf32>
    %dot_general3A_118 = tpu.matmul %mul3A_116, %get3A_43, %dot_general3A_117 {dimension_numbers = #tpu.dot_dimension_numbers<[1], [0], [0], [1], [0, 0, 1, 1], [], []>, transpose_lhs_hint = false} : vector<256x1728xf32>, vector<1728x27xf32>, vector<256x27xf32> -> vector<256x27xf32>
    %slice3A_119 = vector.extract_strided_slice %dot_general3A_118 {offsets = [0, 0], sizes = [256, 13], strides = [1, 1]} : vector<256x27xf32> to vector<256x13xf32>
    %slice3A_120 = vector.extract_strided_slice %concatenate3A {offsets = [0, 896], sizes = [256, 64], strides = [1, 1]} : vector<256x1728xf32> to vector<256x64xf32>
    %concatenate3A_121 = tpu.concatenate %slice3A_120, %slice3A_120, %slice3A_120, %slice3A_120, %slice3A_120, %slice3A_120, %slice3A_120, %slice3A_120, %slice3A_120, %slice3A_120, %slice3A_120, %slice3A_120, %slice3A_120, %slice3A_120, %slice3A_120, %slice3A_120, %slice3A_120, %slice3A_120, %slice3A_120, %slice3A_120, %slice3A_120, %slice3A_120, %slice3A_120, %slice3A_120, %slice3A_120, %slice3A_120, %slice3A_120 in 1 : vector<256x64xf32>, vector<256x64xf32>, vector<256x64xf32>, vector<256x64xf32>, vector<256x64xf32>, vector<256x64xf32>, vector<256x64xf32>, vector<256x64xf32>, vector<256x64xf32>, vector<256x64xf32>, vector<256x64xf32>, vector<256x64xf32>, vector<256x64xf32>, vector<256x64xf32>, vector<256x64xf32>, vector<256x64xf32>, vector<256x64xf32>, vector<256x64xf32>, vector<256x64xf32>, vector<256x64xf32>, vector<256x64xf32>, vector<256x64xf32>, vector<256x64xf32>, vector<256x64xf32>, vector<256x64xf32>, vector<256x64xf32>, vector<256x64xf32> -> vector<256x1728xf32>
    %mul3A_122 = arith.mulf %concatenate3A, %concatenate3A_121 : vector<256x1728xf32>
    %dot_general3A_123 = arith.constant dense<0.000000e+00> : vector<256x27xf32>
    %dot_general3A_124 = tpu.matmul %mul3A_122, %get3A_43, %dot_general3A_123 {dimension_numbers = #tpu.dot_dimension_numbers<[1], [0], [0], [1], [0, 0, 1, 1], [], []>, transpose_lhs_hint = false} : vector<256x1728xf32>, vector<1728x27xf32>, vector<256x27xf32> -> vector<256x27xf32>
    %slice3A_125 = vector.extract_strided_slice %dot_general3A_124 {offsets = [0, 0], sizes = [256, 14], strides = [1, 1]} : vector<256x27xf32> to vector<256x14xf32>
    %slice3A_126 = vector.extract_strided_slice %concatenate3A {offsets = [0, 960], sizes = [256, 64], strides = [1, 1]} : vector<256x1728xf32> to vector<256x64xf32>
    %concatenate3A_127 = tpu.concatenate %slice3A_126, %slice3A_126, %slice3A_126, %slice3A_126, %slice3A_126, %slice3A_126, %slice3A_126, %slice3A_126, %slice3A_126, %slice3A_126, %slice3A_126, %slice3A_126, %slice3A_126, %slice3A_126, %slice3A_126, %slice3A_126, %slice3A_126, %slice3A_126, %slice3A_126, %slice3A_126, %slice3A_126, %slice3A_126, %slice3A_126, %slice3A_126, %slice3A_126, %slice3A_126, %slice3A_126 in 1 : vector<256x64xf32>, vector<256x64xf32>, vector<256x64xf32>, vector<256x64xf32>, vector<256x64xf32>, vector<256x64xf32>, vector<256x64xf32>, vector<256x64xf32>, vector<256x64xf32>, vector<256x64xf32>, vector<256x64xf32>, vector<256x64xf32>, vector<256x64xf32>, vector<256x64xf32>, vector<256x64xf32>, vector<256x64xf32>, vector<256x64xf32>, vector<256x64xf32>, vector<256x64xf32>, vector<256x64xf32>, vector<256x64xf32>, vector<256x64xf32>, vector<256x64xf32>, vector<256x64xf32>, vector<256x64xf32>, vector<256x64xf32>, vector<256x64xf32> -> vector<256x1728xf32>
    %mul3A_128 = arith.mulf %concatenate3A, %concatenate3A_127 : vector<256x1728xf32>
    %dot_general3A_129 = arith.constant dense<0.000000e+00> : vector<256x27xf32>
    %dot_general3A_130 = tpu.matmul %mul3A_128, %get3A_43, %dot_general3A_129 {dimension_numbers = #tpu.dot_dimension_numbers<[1], [0], [0], [1], [0, 0, 1, 1], [], []>, transpose_lhs_hint = false} : vector<256x1728xf32>, vector<1728x27xf32>, vector<256x27xf32> -> vector<256x27xf32>
    %slice3A_131 = vector.extract_strided_slice %dot_general3A_130 {offsets = [0, 0], sizes = [256, 15], strides = [1, 1]} : vector<256x27xf32> to vector<256x15xf32>
    %slice3A_132 = vector.extract_strided_slice %concatenate3A {offsets = [0, 1024], sizes = [256, 64], strides = [1, 1]} : vector<256x1728xf32> to vector<256x64xf32>
    %concatenate3A_133 = tpu.concatenate %slice3A_132, %slice3A_132, %slice3A_132, %slice3A_132, %slice3A_132, %slice3A_132, %slice3A_132, %slice3A_132, %slice3A_132, %slice3A_132, %slice3A_132, %slice3A_132, %slice3A_132, %slice3A_132, %slice3A_132, %slice3A_132, %slice3A_132, %slice3A_132, %slice3A_132, %slice3A_132, %slice3A_132, %slice3A_132, %slice3A_132, %slice3A_132, %slice3A_132, %slice3A_132, %slice3A_132 in 1 : vector<256x64xf32>, vector<256x64xf32>, vector<256x64xf32>, vector<256x64xf32>, vector<256x64xf32>, vector<256x64xf32>, vector<256x64xf32>, vector<256x64xf32>, vector<256x64xf32>, vector<256x64xf32>, vector<256x64xf32>, vector<256x64xf32>, vector<256x64xf32>, vector<256x64xf32>, vector<256x64xf32>, vector<256x64xf32>, vector<256x64xf32>, vector<256x64xf32>, vector<256x64xf32>, vector<256x64xf32>, vector<256x64xf32>, vector<256x64xf32>, vector<256x64xf32>, vector<256x64xf32>, vector<256x64xf32>, vector<256x64xf32>, vector<256x64xf32> -> vector<256x1728xf32>
    %mul3A_134 = arith.mulf %concatenate3A, %concatenate3A_133 : vector<256x1728xf32>
    %dot_general3A_135 = arith.constant dense<0.000000e+00> : vector<256x27xf32>
    %dot_general3A_136 = tpu.matmul %mul3A_134, %get3A_43, %dot_general3A_135 {dimension_numbers = #tpu.dot_dimension_numbers<[1], [0], [0], [1], [0, 0, 1, 1], [], []>, transpose_lhs_hint = false} : vector<256x1728xf32>, vector<1728x27xf32>, vector<256x27xf32> -> vector<256x27xf32>
    %slice3A_137 = vector.extract_strided_slice %dot_general3A_136 {offsets = [0, 0], sizes = [256, 16], strides = [1, 1]} : vector<256x27xf32> to vector<256x16xf32>
    %slice3A_138 = vector.extract_strided_slice %concatenate3A {offsets = [0, 1088], sizes = [256, 64], strides = [1, 1]} : vector<256x1728xf32> to vector<256x64xf32>
    %concatenate3A_139 = tpu.concatenate %slice3A_138, %slice3A_138, %slice3A_138, %slice3A_138, %slice3A_138, %slice3A_138, %slice3A_138, %slice3A_138, %slice3A_138, %slice3A_138, %slice3A_138, %slice3A_138, %slice3A_138, %slice3A_138, %slice3A_138, %slice3A_138, %slice3A_138, %slice3A_138, %slice3A_138, %slice3A_138, %slice3A_138, %slice3A_138, %slice3A_138, %slice3A_138, %slice3A_138, %slice3A_138, %slice3A_138 in 1 : vector<256x64xf32>, vector<256x64xf32>, vector<256x64xf32>, vector<256x64xf32>, vector<256x64xf32>, vector<256x64xf32>, vector<256x64xf32>, vector<256x64xf32>, vector<256x64xf32>, vector<256x64xf32>, vector<256x64xf32>, vector<256x64xf32>, vector<256x64xf32>, vector<256x64xf32>, vector<256x64xf32>, vector<256x64xf32>, vector<256x64xf32>, vector<256x64xf32>, vector<256x64xf32>, vector<256x64xf32>, vector<256x64xf32>, vector<256x64xf32>, vector<256x64xf32>, vector<256x64xf32>, vector<256x64xf32>, vector<256x64xf32>, vector<256x64xf32> -> vector<256x1728xf32>
    %mul3A_140 = arith.mulf %concatenate3A, %concatenate3A_139 : vector<256x1728xf32>
    %dot_general3A_141 = arith.constant dense<0.000000e+00> : vector<256x27xf32>
    %dot_general3A_142 = tpu.matmul %mul3A_140, %get3A_43, %dot_general3A_141 {dimension_numbers = #tpu.dot_dimension_numbers<[1], [0], [0], [1], [0, 0, 1, 1], [], []>, transpose_lhs_hint = false} : vector<256x1728xf32>, vector<1728x27xf32>, vector<256x27xf32> -> vector<256x27xf32>
    %slice3A_143 = vector.extract_strided_slice %dot_general3A_142 {offsets = [0, 0], sizes = [256, 17], strides = [1, 1]} : vector<256x27xf32> to vector<256x17xf32>
    %slice3A_144 = vector.extract_strided_slice %concatenate3A {offsets = [0, 1152], sizes = [256, 64], strides = [1, 1]} : vector<256x1728xf32> to vector<256x64xf32>
    %concatenate3A_145 = tpu.concatenate %slice3A_144, %slice3A_144, %slice3A_144, %slice3A_144, %slice3A_144, %slice3A_144, %slice3A_144, %slice3A_144, %slice3A_144, %slice3A_144, %slice3A_144, %slice3A_144, %slice3A_144, %slice3A_144, %slice3A_144, %slice3A_144, %slice3A_144, %slice3A_144, %slice3A_144, %slice3A_144, %slice3A_144, %slice3A_144, %slice3A_144, %slice3A_144, %slice3A_144, %slice3A_144, %slice3A_144 in 1 : vector<256x64xf32>, vector<256x64xf32>, vector<256x64xf32>, vector<256x64xf32>, vector<256x64xf32>, vector<256x64xf32>, vector<256x64xf32>, vector<256x64xf32>, vector<256x64xf32>, vector<256x64xf32>, vector<256x64xf32>, vector<256x64xf32>, vector<256x64xf32>, vector<256x64xf32>, vector<256x64xf32>, vector<256x64xf32>, vector<256x64xf32>, vector<256x64xf32>, vector<256x64xf32>, vector<256x64xf32>, vector<256x64xf32>, vector<256x64xf32>, vector<256x64xf32>, vector<256x64xf32>, vector<256x64xf32>, vector<256x64xf32>, vector<256x64xf32> -> vector<256x1728xf32>
    %mul3A_146 = arith.mulf %concatenate3A, %concatenate3A_145 : vector<256x1728xf32>
    %dot_general3A_147 = arith.constant dense<0.000000e+00> : vector<256x27xf32>
    %dot_general3A_148 = tpu.matmul %mul3A_146, %get3A_43, %dot_general3A_147 {dimension_numbers = #tpu.dot_dimension_numbers<[1], [0], [0], [1], [0, 0, 1, 1], [], []>, transpose_lhs_hint = false} : vector<256x1728xf32>, vector<1728x27xf32>, vector<256x27xf32> -> vector<256x27xf32>
    %slice3A_149 = vector.extract_strided_slice %dot_general3A_148 {offsets = [0, 0], sizes = [256, 18], strides = [1, 1]} : vector<256x27xf32> to vector<256x18xf32>
    %slice3A_150 = vector.extract_strided_slice %concatenate3A {offsets = [0, 1216], sizes = [256, 64], strides = [1, 1]} : vector<256x1728xf32> to vector<256x64xf32>
    %concatenate3A_151 = tpu.concatenate %slice3A_150, %slice3A_150, %slice3A_150, %slice3A_150, %slice3A_150, %slice3A_150, %slice3A_150, %slice3A_150, %slice3A_150, %slice3A_150, %slice3A_150, %slice3A_150, %slice3A_150, %slice3A_150, %slice3A_150, %slice3A_150, %slice3A_150, %slice3A_150, %slice3A_150, %slice3A_150, %slice3A_150, %slice3A_150, %slice3A_150, %slice3A_150, %slice3A_150, %slice3A_150, %slice3A_150 in 1 : vector<256x64xf32>, vector<256x64xf32>, vector<256x64xf32>, vector<256x64xf32>, vector<256x64xf32>, vector<256x64xf32>, vector<256x64xf32>, vector<256x64xf32>, vector<256x64xf32>, vector<256x64xf32>, vector<256x64xf32>, vector<256x64xf32>, vector<256x64xf32>, vector<256x64xf32>, vector<256x64xf32>, vector<256x64xf32>, vector<256x64xf32>, vector<256x64xf32>, vector<256x64xf32>, vector<256x64xf32>, vector<256x64xf32>, vector<256x64xf32>, vector<256x64xf32>, vector<256x64xf32>, vector<256x64xf32>, vector<256x64xf32>, vector<256x64xf32> -> vector<256x1728xf32>
    %mul3A_152 = arith.mulf %concatenate3A, %concatenate3A_151 : vector<256x1728xf32>
    %dot_general3A_153 = arith.constant dense<0.000000e+00> : vector<256x27xf32>
    %dot_general3A_154 = tpu.matmul %mul3A_152, %get3A_43, %dot_general3A_153 {dimension_numbers = #tpu.dot_dimension_numbers<[1], [0], [0], [1], [0, 0, 1, 1], [], []>, transpose_lhs_hint = false} : vector<256x1728xf32>, vector<1728x27xf32>, vector<256x27xf32> -> vector<256x27xf32>
    %slice3A_155 = vector.extract_strided_slice %dot_general3A_154 {offsets = [0, 0], sizes = [256, 19], strides = [1, 1]} : vector<256x27xf32> to vector<256x19xf32>
    %slice3A_156 = vector.extract_strided_slice %concatenate3A {offsets = [0, 1280], sizes = [256, 64], strides = [1, 1]} : vector<256x1728xf32> to vector<256x64xf32>
    %concatenate3A_157 = tpu.concatenate %slice3A_156, %slice3A_156, %slice3A_156, %slice3A_156, %slice3A_156, %slice3A_156, %slice3A_156, %slice3A_156, %slice3A_156, %slice3A_156, %slice3A_156, %slice3A_156, %slice3A_156, %slice3A_156, %slice3A_156, %slice3A_156, %slice3A_156, %slice3A_156, %slice3A_156, %slice3A_156, %slice3A_156, %slice3A_156, %slice3A_156, %slice3A_156, %slice3A_156, %slice3A_156, %slice3A_156 in 1 : vector<256x64xf32>, vector<256x64xf32>, vector<256x64xf32>, vector<256x64xf32>, vector<256x64xf32>, vector<256x64xf32>, vector<256x64xf32>, vector<256x64xf32>, vector<256x64xf32>, vector<256x64xf32>, vector<256x64xf32>, vector<256x64xf32>, vector<256x64xf32>, vector<256x64xf32>, vector<256x64xf32>, vector<256x64xf32>, vector<256x64xf32>, vector<256x64xf32>, vector<256x64xf32>, vector<256x64xf32>, vector<256x64xf32>, vector<256x64xf32>, vector<256x64xf32>, vector<256x64xf32>, vector<256x64xf32>, vector<256x64xf32>, vector<256x64xf32> -> vector<256x1728xf32>
    %mul3A_158 = arith.mulf %concatenate3A, %concatenate3A_157 : vector<256x1728xf32>
    %dot_general3A_159 = arith.constant dense<0.000000e+00> : vector<256x27xf32>
    %dot_general3A_160 = tpu.matmul %mul3A_158, %get3A_43, %dot_general3A_159 {dimension_numbers = #tpu.dot_dimension_numbers<[1], [0], [0], [1], [0, 0, 1, 1], [], []>, transpose_lhs_hint = false} : vector<256x1728xf32>, vector<1728x27xf32>, vector<256x27xf32> -> vector<256x27xf32>
    %slice3A_161 = vector.extract_strided_slice %dot_general3A_160 {offsets = [0, 0], sizes = [256, 20], strides = [1, 1]} : vector<256x27xf32> to vector<256x20xf32>
    %slice3A_162 = vector.extract_strided_slice %concatenate3A {offsets = [0, 1344], sizes = [256, 64], strides = [1, 1]} : vector<256x1728xf32> to vector<256x64xf32>
    %concatenate3A_163 = tpu.concatenate %slice3A_162, %slice3A_162, %slice3A_162, %slice3A_162, %slice3A_162, %slice3A_162, %slice3A_162, %slice3A_162, %slice3A_162, %slice3A_162, %slice3A_162, %slice3A_162, %slice3A_162, %slice3A_162, %slice3A_162, %slice3A_162, %slice3A_162, %slice3A_162, %slice3A_162, %slice3A_162, %slice3A_162, %slice3A_162, %slice3A_162, %slice3A_162, %slice3A_162, %slice3A_162, %slice3A_162 in 1 : vector<256x64xf32>, vector<256x64xf32>, vector<256x64xf32>, vector<256x64xf32>, vector<256x64xf32>, vector<256x64xf32>, vector<256x64xf32>, vector<256x64xf32>, vector<256x64xf32>, vector<256x64xf32>, vector<256x64xf32>, vector<256x64xf32>, vector<256x64xf32>, vector<256x64xf32>, vector<256x64xf32>, vector<256x64xf32>, vector<256x64xf32>, vector<256x64xf32>, vector<256x64xf32>, vector<256x64xf32>, vector<256x64xf32>, vector<256x64xf32>, vector<256x64xf32>, vector<256x64xf32>, vector<256x64xf32>, vector<256x64xf32>, vector<256x64xf32> -> vector<256x1728xf32>
    %mul3A_164 = arith.mulf %concatenate3A, %concatenate3A_163 : vector<256x1728xf32>
    %dot_general3A_165 = arith.constant dense<0.000000e+00> : vector<256x27xf32>
    %dot_general3A_166 = tpu.matmul %mul3A_164, %get3A_43, %dot_general3A_165 {dimension_numbers = #tpu.dot_dimension_numbers<[1], [0], [0], [1], [0, 0, 1, 1], [], []>, transpose_lhs_hint = false} : vector<256x1728xf32>, vector<1728x27xf32>, vector<256x27xf32> -> vector<256x27xf32>
    %slice3A_167 = vector.extract_strided_slice %dot_general3A_166 {offsets = [0, 0], sizes = [256, 21], strides = [1, 1]} : vector<256x27xf32> to vector<256x21xf32>
    %slice3A_168 = vector.extract_strided_slice %concatenate3A {offsets = [0, 1408], sizes = [256, 64], strides = [1, 1]} : vector<256x1728xf32> to vector<256x64xf32>
    %concatenate3A_169 = tpu.concatenate %slice3A_168, %slice3A_168, %slice3A_168, %slice3A_168, %slice3A_168, %slice3A_168, %slice3A_168, %slice3A_168, %slice3A_168, %slice3A_168, %slice3A_168, %slice3A_168, %slice3A_168, %slice3A_168, %slice3A_168, %slice3A_168, %slice3A_168, %slice3A_168, %slice3A_168, %slice3A_168, %slice3A_168, %slice3A_168, %slice3A_168, %slice3A_168, %slice3A_168, %slice3A_168, %slice3A_168 in 1 : vector<256x64xf32>, vector<256x64xf32>, vector<256x64xf32>, vector<256x64xf32>, vector<256x64xf32>, vector<256x64xf32>, vector<256x64xf32>, vector<256x64xf32>, vector<256x64xf32>, vector<256x64xf32>, vector<256x64xf32>, vector<256x64xf32>, vector<256x64xf32>, vector<256x64xf32>, vector<256x64xf32>, vector<256x64xf32>, vector<256x64xf32>, vector<256x64xf32>, vector<256x64xf32>, vector<256x64xf32>, vector<256x64xf32>, vector<256x64xf32>, vector<256x64xf32>, vector<256x64xf32>, vector<256x64xf32>, vector<256x64xf32>, vector<256x64xf32> -> vector<256x1728xf32>
    %mul3A_170 = arith.mulf %concatenate3A, %concatenate3A_169 : vector<256x1728xf32>
    %dot_general3A_171 = arith.constant dense<0.000000e+00> : vector<256x27xf32>
    %dot_general3A_172 = tpu.matmul %mul3A_170, %get3A_43, %dot_general3A_171 {dimension_numbers = #tpu.dot_dimension_numbers<[1], [0], [0], [1], [0, 0, 1, 1], [], []>, transpose_lhs_hint = false} : vector<256x1728xf32>, vector<1728x27xf32>, vector<256x27xf32> -> vector<256x27xf32>
    %slice3A_173 = vector.extract_strided_slice %dot_general3A_172 {offsets = [0, 0], sizes = [256, 22], strides = [1, 1]} : vector<256x27xf32> to vector<256x22xf32>
    %slice3A_174 = vector.extract_strided_slice %concatenate3A {offsets = [0, 1472], sizes = [256, 64], strides = [1, 1]} : vector<256x1728xf32> to vector<256x64xf32>
    %concatenate3A_175 = tpu.concatenate %slice3A_174, %slice3A_174, %slice3A_174, %slice3A_174, %slice3A_174, %slice3A_174, %slice3A_174, %slice3A_174, %slice3A_174, %slice3A_174, %slice3A_174, %slice3A_174, %slice3A_174, %slice3A_174, %slice3A_174, %slice3A_174, %slice3A_174, %slice3A_174, %slice3A_174, %slice3A_174, %slice3A_174, %slice3A_174, %slice3A_174, %slice3A_174, %slice3A_174, %slice3A_174, %slice3A_174 in 1 : vector<256x64xf32>, vector<256x64xf32>, vector<256x64xf32>, vector<256x64xf32>, vector<256x64xf32>, vector<256x64xf32>, vector<256x64xf32>, vector<256x64xf32>, vector<256x64xf32>, vector<256x64xf32>, vector<256x64xf32>, vector<256x64xf32>, vector<256x64xf32>, vector<256x64xf32>, vector<256x64xf32>, vector<256x64xf32>, vector<256x64xf32>, vector<256x64xf32>, vector<256x64xf32>, vector<256x64xf32>, vector<256x64xf32>, vector<256x64xf32>, vector<256x64xf32>, vector<256x64xf32>, vector<256x64xf32>, vector<256x64xf32>, vector<256x64xf32> -> vector<256x1728xf32>
    %mul3A_176 = arith.mulf %concatenate3A, %concatenate3A_175 : vector<256x1728xf32>
    %dot_general3A_177 = arith.constant dense<0.000000e+00> : vector<256x27xf32>
    %dot_general3A_178 = tpu.matmul %mul3A_176, %get3A_43, %dot_general3A_177 {dimension_numbers = #tpu.dot_dimension_numbers<[1], [0], [0], [1], [0, 0, 1, 1], [], []>, transpose_lhs_hint = false} : vector<256x1728xf32>, vector<1728x27xf32>, vector<256x27xf32> -> vector<256x27xf32>
    %slice3A_179 = vector.extract_strided_slice %dot_general3A_178 {offsets = [0, 0], sizes = [256, 23], strides = [1, 1]} : vector<256x27xf32> to vector<256x23xf32>
    %slice3A_180 = vector.extract_strided_slice %concatenate3A {offsets = [0, 1536], sizes = [256, 64], strides = [1, 1]} : vector<256x1728xf32> to vector<256x64xf32>
    %concatenate3A_181 = tpu.concatenate %slice3A_180, %slice3A_180, %slice3A_180, %slice3A_180, %slice3A_180, %slice3A_180, %slice3A_180, %slice3A_180, %slice3A_180, %slice3A_180, %slice3A_180, %slice3A_180, %slice3A_180, %slice3A_180, %slice3A_180, %slice3A_180, %slice3A_180, %slice3A_180, %slice3A_180, %slice3A_180, %slice3A_180, %slice3A_180, %slice3A_180, %slice3A_180, %slice3A_180, %slice3A_180, %slice3A_180 in 1 : vector<256x64xf32>, vector<256x64xf32>, vector<256x64xf32>, vector<256x64xf32>, vector<256x64xf32>, vector<256x64xf32>, vector<256x64xf32>, vector<256x64xf32>, vector<256x64xf32>, vector<256x64xf32>, vector<256x64xf32>, vector<256x64xf32>, vector<256x64xf32>, vector<256x64xf32>, vector<256x64xf32>, vector<256x64xf32>, vector<256x64xf32>, vector<256x64xf32>, vector<256x64xf32>, vector<256x64xf32>, vector<256x64xf32>, vector<256x64xf32>, vector<256x64xf32>, vector<256x64xf32>, vector<256x64xf32>, vector<256x64xf32>, vector<256x64xf32> -> vector<256x1728xf32>
    %mul3A_182 = arith.mulf %concatenate3A, %concatenate3A_181 : vector<256x1728xf32>
    %dot_general3A_183 = arith.constant dense<0.000000e+00> : vector<256x27xf32>
    %dot_general3A_184 = tpu.matmul %mul3A_182, %get3A_43, %dot_general3A_183 {dimension_numbers = #tpu.dot_dimension_numbers<[1], [0], [0], [1], [0, 0, 1, 1], [], []>, transpose_lhs_hint = false} : vector<256x1728xf32>, vector<1728x27xf32>, vector<256x27xf32> -> vector<256x27xf32>
    %slice3A_185 = vector.extract_strided_slice %dot_general3A_184 {offsets = [0, 0], sizes = [256, 24], strides = [1, 1]} : vector<256x27xf32> to vector<256x24xf32>
    %slice3A_186 = vector.extract_strided_slice %concatenate3A {offsets = [0, 1600], sizes = [256, 64], strides = [1, 1]} : vector<256x1728xf32> to vector<256x64xf32>
    %concatenate3A_187 = tpu.concatenate %slice3A_186, %slice3A_186, %slice3A_186, %slice3A_186, %slice3A_186, %slice3A_186, %slice3A_186, %slice3A_186, %slice3A_186, %slice3A_186, %slice3A_186, %slice3A_186, %slice3A_186, %slice3A_186, %slice3A_186, %slice3A_186, %slice3A_186, %slice3A_186, %slice3A_186, %slice3A_186, %slice3A_186, %slice3A_186, %slice3A_186, %slice3A_186, %slice3A_186, %slice3A_186, %slice3A_186 in 1 : vector<256x64xf32>, vector<256x64xf32>, vector<256x64xf32>, vector<256x64xf32>, vector<256x64xf32>, vector<256x64xf32>, vector<256x64xf32>, vector<256x64xf32>, vector<256x64xf32>, vector<256x64xf32>, vector<256x64xf32>, vector<256x64xf32>, vector<256x64xf32>, vector<256x64xf32>, vector<256x64xf32>, vector<256x64xf32>, vector<256x64xf32>, vector<256x64xf32>, vector<256x64xf32>, vector<256x64xf32>, vector<256x64xf32>, vector<256x64xf32>, vector<256x64xf32>, vector<256x64xf32>, vector<256x64xf32>, vector<256x64xf32>, vector<256x64xf32> -> vector<256x1728xf32>
    %mul3A_188 = arith.mulf %concatenate3A, %concatenate3A_187 : vector<256x1728xf32>
    %dot_general3A_189 = arith.constant dense<0.000000e+00> : vector<256x27xf32>
    %dot_general3A_190 = tpu.matmul %mul3A_188, %get3A_43, %dot_general3A_189 {dimension_numbers = #tpu.dot_dimension_numbers<[1], [0], [0], [1], [0, 0, 1, 1], [], []>, transpose_lhs_hint = false} : vector<256x1728xf32>, vector<1728x27xf32>, vector<256x27xf32> -> vector<256x27xf32>
    %slice3A_191 = vector.extract_strided_slice %dot_general3A_190 {offsets = [0, 0], sizes = [256, 25], strides = [1, 1]} : vector<256x27xf32> to vector<256x25xf32>
    %slice3A_192 = vector.extract_strided_slice %concatenate3A {offsets = [0, 1664], sizes = [256, 64], strides = [1, 1]} : vector<256x1728xf32> to vector<256x64xf32>
    %concatenate3A_193 = tpu.concatenate %slice3A_192, %slice3A_192, %slice3A_192, %slice3A_192, %slice3A_192, %slice3A_192, %slice3A_192, %slice3A_192, %slice3A_192, %slice3A_192, %slice3A_192, %slice3A_192, %slice3A_192, %slice3A_192, %slice3A_192, %slice3A_192, %slice3A_192, %slice3A_192, %slice3A_192, %slice3A_192, %slice3A_192, %slice3A_192, %slice3A_192, %slice3A_192, %slice3A_192, %slice3A_192, %slice3A_192 in 1 : vector<256x64xf32>, vector<256x64xf32>, vector<256x64xf32>, vector<256x64xf32>, vector<256x64xf32>, vector<256x64xf32>, vector<256x64xf32>, vector<256x64xf32>, vector<256x64xf32>, vector<256x64xf32>, vector<256x64xf32>, vector<256x64xf32>, vector<256x64xf32>, vector<256x64xf32>, vector<256x64xf32>, vector<256x64xf32>, vector<256x64xf32>, vector<256x64xf32>, vector<256x64xf32>, vector<256x64xf32>, vector<256x64xf32>, vector<256x64xf32>, vector<256x64xf32>, vector<256x64xf32>, vector<256x64xf32>, vector<256x64xf32>, vector<256x64xf32> -> vector<256x1728xf32>
    %mul3A_194 = arith.mulf %concatenate3A, %concatenate3A_193 : vector<256x1728xf32>
    %dot_general3A_195 = arith.constant dense<0.000000e+00> : vector<256x27xf32>
    %dot_general3A_196 = tpu.matmul %mul3A_194, %get3A_43, %dot_general3A_195 {dimension_numbers = #tpu.dot_dimension_numbers<[1], [0], [0], [1], [0, 0, 1, 1], [], []>, transpose_lhs_hint = false} : vector<256x1728xf32>, vector<1728x27xf32>, vector<256x27xf32> -> vector<256x27xf32>
    %slice3A_197 = vector.extract_strided_slice %dot_general3A_196 {offsets = [0, 0], sizes = [256, 26], strides = [1, 1]} : vector<256x27xf32> to vector<256x26xf32>
    %broadcast_in_dim3A = arith.constant 0.000000e+00 : f32
    %broadcast_in_dim3A_198 = vector.broadcast %broadcast_in_dim3A : f32 to vector<256x97xf32>
    %concatenate3A_199 = tpu.concatenate %max3A_37, %slice3A_47, %slice3A_53, %slice3A_59, %slice3A_65, %slice3A_71, %slice3A_77, %slice3A_83, %slice3A_89, %slice3A_95, %slice3A_101, %slice3A_107, %slice3A_113, %slice3A_119, %slice3A_125, %slice3A_131, %slice3A_137, %slice3A_143, %slice3A_149, %slice3A_155, %slice3A_161, %slice3A_167, %slice3A_173, %slice3A_179, %slice3A_185, %slice3A_191, %slice3A_197, %broadcast_in_dim3A_198 in 1 : vector<256x64xf32>, vector<256x1xf32>, vector<256x2xf32>, vector<256x3xf32>, vector<256x4xf32>, vector<256x5xf32>, vector<256x6xf32>, vector<256x7xf32>, vector<256x8xf32>, vector<256x9xf32>, vector<256x10xf32>, vector<256x11xf32>, vector<256x12xf32>, vector<256x13xf32>, vector<256x14xf32>, vector<256x15xf32>, vector<256x16xf32>, vector<256x17xf32>, vector<256x18xf32>, vector<256x19xf32>, vector<256x20xf32>, vector<256x21xf32>, vector<256x22xf32>, vector<256x23xf32>, vector<256x24xf32>, vector<256x25xf32>, vector<256x26xf32>, vector<256x97xf32> -> vector<256x512xf32>
    %get3A_200 = arith.constant 0 : index
    %get3A_201 = arith.constant 0 : index
    %get3A_202 = vector.load %arg9[%get3A_200, %get3A_201] : memref<512x1024xf32, #tpu.memory_space<vmem>>, vector<512x1024xf32>
    %dot_general3A_203 = arith.constant dense<0.000000e+00> : vector<256x1024xf32>
    %dot_general3A_204 = tpu.matmul %concatenate3A_199, %get3A_202, %dot_general3A_203 {dimension_numbers = #tpu.dot_dimension_numbers<[1], [0], [0], [1], [0, 0, 1, 1], [], []>, transpose_lhs_hint = false} : vector<256x512xf32>, vector<512x1024xf32>, vector<256x1024xf32> -> vector<256x1024xf32>
    %get3A_205 = arith.constant 0 : index
    %get3A_206 = arith.constant 0 : index
    %get3A_207 = vector.load %arg10[%get3A_205, %get3A_206] : memref<1x1024xf32, #tpu.memory_space<vmem>>, vector<1x1024xf32>
    %add3A_208 = vector.broadcast %get3A_207 : vector<1x1024xf32> to vector<256x1024xf32>
    %add3A_209 = arith.addf %dot_general3A_204, %add3A_208 : vector<256x1024xf32>
    %max3A_210 = arith.constant 0.000000e+00 : f32
    %max3A_211 = vector.broadcast %max3A_210 : f32 to vector<256x1024xf32>
    %max3A_212 = arith.maximumf %add3A_209, %max3A_211 : vector<256x1024xf32>
    %get3A_213 = arith.constant 0 : index
    %get3A_214 = arith.constant 0 : index
    %get3A_215 = vector.load %arg11[%get3A_213, %get3A_214] : memref<1024x1024xf32, #tpu.memory_space<vmem>>, vector<1024x1024xf32>
    %dot_general3A_216 = arith.constant dense<0.000000e+00> : vector<256x1024xf32>
    %dot_general3A_217 = tpu.matmul %max3A_212, %get3A_215, %dot_general3A_216 {dimension_numbers = #tpu.dot_dimension_numbers<[1], [0], [0], [1], [0, 0, 1, 1], [], []>, transpose_lhs_hint = false} : vector<256x1024xf32>, vector<1024x1024xf32>, vector<256x1024xf32> -> vector<256x1024xf32>
    %get3A_218 = arith.constant 0 : index
    %get3A_219 = arith.constant 0 : index
    %get3A_220 = vector.load %arg12[%get3A_218, %get3A_219] : memref<1x1024xf32, #tpu.memory_space<vmem>>, vector<1x1024xf32>
    %add3A_221 = vector.broadcast %get3A_220 : vector<1x1024xf32> to vector<256x1024xf32>
    %add3A_222 = arith.addf %dot_general3A_217, %add3A_221 : vector<256x1024xf32>
    %max3A_223 = arith.constant 0.000000e+00 : f32
    %max3A_224 = vector.broadcast %max3A_223 : f32 to vector<256x1024xf32>
    %max3A_225 = arith.maximumf %add3A_222, %max3A_224 : vector<256x1024xf32>
    %get3A_226 = arith.constant 0 : index
    %get3A_227 = arith.constant 0 : index
    %get3A_228 = vector.load %arg13[%get3A_226, %get3A_227] : memref<1024x512xf32, #tpu.memory_space<vmem>>, vector<1024x512xf32>
    %dot_general3A_229 = arith.constant dense<0.000000e+00> : vector<256x512xf32>
    %dot_general3A_230 = tpu.matmul %max3A_225, %get3A_228, %dot_general3A_229 {dimension_numbers = #tpu.dot_dimension_numbers<[1], [0], [0], [1], [0, 0, 1, 1], [], []>, transpose_lhs_hint = false} : vector<256x1024xf32>, vector<1024x512xf32>, vector<256x512xf32> -> vector<256x512xf32>
    %get3A_231 = arith.constant 0 : index
    %get3A_232 = arith.constant 0 : index
    %get3A_233 = vector.load %arg14[%get3A_231, %get3A_232] : memref<1x512xf32, #tpu.memory_space<vmem>>, vector<1x512xf32>
    %add3A_234 = vector.broadcast %get3A_233 : vector<1x512xf32> to vector<256x512xf32>
    %add3A_235 = arith.addf %dot_general3A_230, %add3A_234 : vector<256x512xf32>
    %max3A_236 = arith.constant 0.000000e+00 : f32
    %max3A_237 = vector.broadcast %max3A_236 : f32 to vector<256x512xf32>
    %max3A_238 = arith.maximumf %add3A_235, %max3A_237 : vector<256x512xf32>
    %get3A_239 = arith.constant 0 : index
    %get3A_240 = arith.constant 0 : index
    %get3A_241 = vector.load %arg15[%get3A_239, %get3A_240] : memref<512x256xf32, #tpu.memory_space<vmem>>, vector<512x256xf32>
    %dot_general3A_242 = arith.constant dense<0.000000e+00> : vector<256x256xf32>
    %dot_general3A_243 = tpu.matmul %max3A_238, %get3A_241, %dot_general3A_242 {dimension_numbers = #tpu.dot_dimension_numbers<[1], [0], [0], [1], [0, 0, 1, 1], [], []>, transpose_lhs_hint = false} : vector<256x512xf32>, vector<512x256xf32>, vector<256x256xf32> -> vector<256x256xf32>
    %get3A_244 = arith.constant 0 : index
    %get3A_245 = arith.constant 0 : index
    %get3A_246 = vector.load %arg16[%get3A_244, %get3A_245] : memref<1x256xf32, #tpu.memory_space<vmem>>, vector<1x256xf32>
    %add3A_247 = vector.broadcast %get3A_246 : vector<1x256xf32> to vector<256x256xf32>
    %add3A_248 = arith.addf %dot_general3A_243, %add3A_247 : vector<256x256xf32>
    %max3A_249 = arith.constant 0.000000e+00 : f32
    %max3A_250 = vector.broadcast %max3A_249 : f32 to vector<256x256xf32>
    %max3A_251 = arith.maximumf %add3A_248, %max3A_250 : vector<256x256xf32>
    %get3A_252 = arith.constant 0 : index
    %get3A_253 = arith.constant 0 : index
    %get3A_254 = vector.load %arg17[%get3A_252, %get3A_253] : memref<256x128xf32, #tpu.memory_space<vmem>>, vector<256x128xf32>
    %dot_general3A_255 = arith.constant dense<0.000000e+00> : vector<256x128xf32>
    %dot_general3A_256 = tpu.matmul %max3A_251, %get3A_254, %dot_general3A_255 {dimension_numbers = #tpu.dot_dimension_numbers<[1], [0], [0], [1], [0, 0, 1, 1], [], []>, transpose_lhs_hint = false} : vector<256x256xf32>, vector<256x128xf32>, vector<256x128xf32> -> vector<256x128xf32>
    %get3A_257 = arith.constant 0 : index
    %get3A_258 = arith.constant 0 : index
    %get3A_259 = vector.load %arg18[%get3A_257, %get3A_258] : memref<1x128xf32, #tpu.memory_space<vmem>>, vector<1x128xf32>
    %add3A_260 = vector.broadcast %get3A_259 : vector<1x128xf32> to vector<256x128xf32>
    %add3A_261 = arith.addf %dot_general3A_256, %add3A_260 : vector<256x128xf32>
    %swap3A = arith.constant 0 : index
    %swap3A_262 = arith.constant 0 : index
    %swap3A_263 = vector.load %arg20[%swap3A, %swap3A_262] : memref<256x128xf32, #tpu.memory_space<vmem>>, vector<256x128xf32>
    tpu.vector_store %arg20[%swap3A, %swap3A_262], %add3A_261 {strides = array<i32>} : memref<256x128xf32, #tpu.memory_space<vmem>>, vector<256x128xf32>,
    return
  }
  func.func @transform_0(%arg0: i32) -> (i32, i32) {
    %c0_i32 = arith.constant 0 : i32
    %c0_i32_0 = arith.constant 0 : i32
    return %arg0, %c0_i32 : i32, i32
  }
  func.func @transform_1(%arg0: i32) -> (i32, i32) {
    %c0_i32 = arith.constant 0 : i32
    %c0_i32_0 = arith.constant 0 : i32
    return %arg0, %c0_i32 : i32, i32
  }
  func.func @transform_2(%arg0: i32) -> (i32, i32) {
    %c0_i32 = arith.constant 0 : i32
    %c0_i32_0 = arith.constant 0 : i32
    %c0_i32_1 = arith.constant 0 : i32
    return %c0_i32, %c0_i32_0 : i32, i32
  }
  func.func @transform_3(%arg0: i32) -> (i32, i32) {
    %c0_i32 = arith.constant 0 : i32
    %c0_i32_0 = arith.constant 0 : i32
    %c0_i32_1 = arith.constant 0 : i32
    return %c0_i32, %c0_i32_0 : i32, i32
  }
  func.func @transform_4(%arg0: i32) -> (i32, i32) {
    %c0_i32 = arith.constant 0 : i32
    %c0_i32_0 = arith.constant 0 : i32
    %c0_i32_1 = arith.constant 0 : i32
    return %c0_i32, %c0_i32_0 : i32, i32
  }
  func.func @transform_5(%arg0: i32) -> (i32, i32) {
    %c0_i32 = arith.constant 0 : i32
    %c0_i32_0 = arith.constant 0 : i32
    %c0_i32_1 = arith.constant 0 : i32
    return %c0_i32, %c0_i32_0 : i32, i32
  }
  func.func @transform_6(%arg0: i32) -> (i32, i32) {
    %c0_i32 = arith.constant 0 : i32
    %c0_i32_0 = arith.constant 0 : i32
    %c0_i32_1 = arith.constant 0 : i32
    return %c0_i32, %c0_i32_0 : i32, i32
  }
  func.func @transform_7(%arg0: i32) -> (i32, i32) {
    %c0_i32 = arith.constant 0 : i32
    %c0_i32_0 = arith.constant 0 : i32
    %c0_i32_1 = arith.constant 0 : i32
    return %c0_i32, %c0_i32_0 : i32, i32
  }
  func.func @transform_8(%arg0: i32) -> (i32, i32) {
    %c0_i32 = arith.constant 0 : i32
    %c0_i32_0 = arith.constant 0 : i32
    %c0_i32_1 = arith.constant 0 : i32
    return %c0_i32, %c0_i32_0 : i32, i32
  }
  func.func @transform_9(%arg0: i32) -> (i32, i32) {
    %c0_i32 = arith.constant 0 : i32
    %c0_i32_0 = arith.constant 0 : i32
    %c0_i32_1 = arith.constant 0 : i32
    return %c0_i32, %c0_i32_0 : i32, i32
  }
  func.func @transform_10(%arg0: i32) -> (i32, i32) {
    %c0_i32 = arith.constant 0 : i32
    %c0_i32_0 = arith.constant 0 : i32
    %c0_i32_1 = arith.constant 0 : i32
    return %c0_i32, %c0_i32_0 : i32, i32
  }
  func.func @transform_11(%arg0: i32) -> (i32, i32) {
    %c0_i32 = arith.constant 0 : i32
    %c0_i32_0 = arith.constant 0 : i32
    %c0_i32_1 = arith.constant 0 : i32
    return %c0_i32, %c0_i32_0 : i32, i32
  }
  func.func @transform_12(%arg0: i32) -> (i32, i32) {
    %c0_i32 = arith.constant 0 : i32
    %c0_i32_0 = arith.constant 0 : i32
    %c0_i32_1 = arith.constant 0 : i32
    return %c0_i32, %c0_i32_0 : i32, i32
  }
  func.func @transform_13(%arg0: i32) -> (i32, i32) {
    %c0_i32 = arith.constant 0 : i32
    %c0_i32_0 = arith.constant 0 : i32
    %c0_i32_1 = arith.constant 0 : i32
    return %c0_i32, %c0_i32_0 : i32, i32
  }
  func.func @transform_14(%arg0: i32) -> (i32, i32) {
    %c0_i32 = arith.constant 0 : i32
    %c0_i32_0 = arith.constant 0 : i32
    %c0_i32_1 = arith.constant 0 : i32
    return %c0_i32, %c0_i32_0 : i32, i32
  }
  func.func @transform_15(%arg0: i32) -> (i32, i32) {
    %c0_i32 = arith.constant 0 : i32
    %c0_i32_0 = arith.constant 0 : i32
    %c0_i32_1 = arith.constant 0 : i32
    return %c0_i32, %c0_i32_0 : i32, i32
  }
  func.func @transform_16(%arg0: i32) -> (i32, i32) {
    %c0_i32 = arith.constant 0 : i32
    %c0_i32_0 = arith.constant 0 : i32
    %c0_i32_1 = arith.constant 0 : i32
    return %c0_i32, %c0_i32_0 : i32, i32
  }
  func.func @transform_17(%arg0: i32) -> (i32, i32) {
    %c0_i32 = arith.constant 0 : i32
    %c0_i32_0 = arith.constant 0 : i32
    %c0_i32_1 = arith.constant 0 : i32
    return %c0_i32, %c0_i32_0 : i32, i32
  }
  func.func @transform_18(%arg0: i32) -> (i32, i32) {
    %c0_i32 = arith.constant 0 : i32
    %c0_i32_0 = arith.constant 0 : i32
    %c0_i32_1 = arith.constant 0 : i32
    return %c0_i32, %c0_i32_0 : i32, i32
  }
  func.func @transform_19(%arg0: i32) -> (i32, i32) {
    %c0_i32 = arith.constant 0 : i32
    %c0_i32_0 = arith.constant 0 : i32
    return %arg0, %c0_i32 : i32, i32
  }
}

</mosaic_0001>

<sc_bundles>
// kernel: kernel.4.cloned.1.call-start
scs
__scs_entry_jumppad:
0x0: {  	(pc) =	sbr.rel $0x88, $3  }
0x1: {  	(tag) =	ssettag $0x0;
	lr =	simm.s32 $0x1  }
0x2: {  	[smem:$0x3F8E] =	sst lr;
	_ =	strace $0xD0000000  }
0x3: {  	_ = 	snop  }
0x4: {  	_ = 	snop  }
0x5: {  	_ = 	snop  }
0x6: {  	_ = 	snop  }
0x7: {  	_ = 	snop  }
__scs_overlays_trampoline_lowered:
0x8: {  	[smem:$0x3F9D] =	sst s0  }
0x9: {  	[smem:$0x3F9E] =	sst s1  }
0xa: {  	[smem:$0x3F9F] =	sst s2  }
0xb: {  	[smem:$0x3FA0] =	sst s3  }
0xc: {  	[smem:$0x3FA1] =	sst s4  }
0xd: {  	[smem:$0x3FA2] =	sst s5  }
0xe: {  	[smem:$0x3FA3] =	sst s6  }
0xf: {  	[smem:$0x3FA4] =	sst s7  }
0x10: {  	[smem:$0x3FA5] =	sst s8  }
0x11: {  	[smem:$0x3FA6] =	sst s9;
	s0 =	simm.s32 @!p0 $0x0  }
0x12: {  	s1 =	sld [smem:$0x3F8C];
	s0 =	simm.s32 @p0 $0x1  }
0x13: {  	[smem:$0x3FA7] =	sst s0;
	s0 =	simm.s32 @!p1 $0x0  }
0x14: {  	s2 =	sld [smem:$0x3F8B];
	s0 =	simm.s32 @p1 $0x1  }
0x15: {  	[smem:$0x3FA8] =	sst s0;
	s0 =	simm.s32 @!p2 $0x0  }
0x16: {  	s3 =	sld [smem:$0x3FDB];
	s0 =	simm.s32 @p2 $0x1  }
0x17: {  	s4 =	simm.s32 $0x1BF5;
	[smem:$0x3FAA] =	sst s0  }
0x18: {  	s0 =	sld [smem:$0x3F8D];
	_ =	swait.ge [sflag:s4], $0x0  }
0x19: {  	s7 =	sld [smem:$0x3F8E]  }
0x1a: {  	s8 =	sadd.s32 $0xFFFFE003, lr  }
0x1b: {  	s9 =	sadd.s32 $0xFFFFFEF7, lr;
	s5 =	simm.s32 $0xFFFFFFFF;
	p2 =	slt.u32 s8, $0xFFFFF086  }
0x1c: {  	p1 =	slt.u32 s9, $0xF7A;
	s5 =	simm.s32 @!p2 $0x0  }
0x1d: {  	s5 =	simm.s32 @p1 $0x1;
	p0 =	seq.s32 s7, s2  }
0x1e: {  	s7 =	smul.u32 @!p0 $0xF7A, s2;
	p2 =	seq.s32 @!p0 s5, $0x0  }
0x1f: {  	s9 =	smul.u32 $0xF7A, s1;
	s8 =	simm.s32 @!p0 $0x1BF5;
	p2 =	por !p2, p0  }
0x20: {  	[sflag:s8] =	ssyncset.s32 @!p0 $0xFFFFF086;
	s6 =	sadd.s32 @!p0 s3, s7;
	s7 =	simm.s32 @!p0 $0x108  }
0x21: {  	s3 =	sadd.s32 s3, s9;
	s6 =	sadd.s32 @!p0 $0x88, s6;
	s7 =	simm.s32 @p2 $0x1082  }
0x22: {  	[simem:s7], [sflag:s8] =	dma.local @!p0 [hbm:s6], $0xF7A  }
0x23: {  	s9 =	sor.u32 $0xD0000000, s2;
	s6 =	simm.s32 $0x108;
	_ =	swait.ge @!p0 [sflag:s8], $0x0  }
0x24: {  	s3 =	sadd.s32 $0x88, s3;
	s6 =	simm.s32 @!p1 $0x1082;
	[sflag:s4] =	ssyncset.s32 $0xFFFFF086  }
0x25: {  	[simem:s6], [sflag:s4] =	dma.local [hbm:s3], $0xF7A  }
0x26: {  	[smem:$0x3F8E] =	sst s1;
	(tag) =	ssettag s2;
	_ =	strace s9  }
0x27: {  	s1 =	sld [smem:$0x3F9E]  }
0x28: {  	s2 =	sld [smem:$0x3F9F]  }
0x29: {  	s4 =	sld [smem:$0x3FA1]  }
0x2a: {  	p0 =	seq.s32 s5, $0x0;
	s5 =	sld [smem:$0x3FA2]  }
0x2b: {  	s6 =	sld [smem:$0x3FA3]  }
0x2c: {  	s7 =	sld [smem:$0x3FA4]  }
0x2d: {  	s3 =	simm.s32 $0x108;
	s8 =	sld [smem:$0x3FA5]  }
0x2e: {  	s3 =	simm.s32 @!p0 $0x1082;
	s9 =	sld [smem:$0x3FA6]  }
0x2f: {  	lr =	sadd.s32 s0, s3;
	s0 =	sld [smem:$0x3F9D]  }
0x30: {  	s3 =	sld [smem:$0x3FA0]  }
0x31: {  	[smem:$0x3FA9] =	sst s10  }
0x32: {  	s10 =	sld [smem:$0x3FA7];
	_ =	sdelay $0x3  }
0x33: {  	p0 =	seq.s32 s10, $0x1;
	s10 =	sld [smem:$0x3FA9];
	_ =	sdelay $0x3  }
0x34: {  	[smem:$0x3FA9] =	sst s10  }
0x35: {  	s10 =	sld [smem:$0x3FA8];
	_ =	sdelay $0x3  }
0x36: {  	p1 =	seq.s32 s10, $0x1;
	s10 =	sld [smem:$0x3FA9];
	_ =	sdelay $0x3  }
0x37: {  	[smem:$0x3FA9] =	sst s10  }
0x38: {  	s10 =	sld [smem:$0x3FAA]  }
0x39: {  	_ = 	snop;
	(pc) =	sbr.ind lr, $3  }
0x3a: {  	_ = 	snop  }
0x3b: {  	_ = 	snop  }
0x3c: {  	p2 =	seq.s32 s10, $0x1;
	s10 =	sld [smem:$0x3FA9]  }
0x3d: {  	_ =	shalt  }
0x3e: {  	_ =	shalt  }
0x3f: {  	_ =	shalt  }
0x40: {  	_ =	shalt  }
0x41: {  	_ =	shalt  }
0x42: {  	_ =	shalt  }
0x43: {  	_ =	shalt  }
0x44: {  	_ =	shalt  }
0x45: {  	_ =	shalt  }
0x46: {  	_ =	shalt  }
0x47: {  	_ =	shalt  }
0x48: {  	_ =	shalt  }
0x49: {  	_ =	shalt  }
0x4a: {  	_ =	shalt  }
0x4b: {  	_ =	shalt  }
0x4c: {  	_ =	shalt  }
0x4d: {  	_ =	shalt  }
0x4e: {  	_ =	shalt  }
0x4f: {  	_ =	shalt  }
0x50: {  	_ =	shalt  }
0x51: {  	_ =	shalt  }
0x52: {  	_ =	shalt  }
0x53: {  	_ =	shalt  }
0x54: {  	_ =	shalt  }
0x55: {  	_ =	shalt  }
0x56: {  	_ =	shalt  }
0x57: {  	_ =	shalt  }
0x58: {  	_ =	shalt  }
0x59: {  	_ =	shalt  }
0x5a: {  	_ =	shalt  }
0x5b: {  	_ =	shalt  }
0x5c: {  	_ =	shalt  }
0x5d: {  	_ =	shalt  }
0x5e: {  	_ =	shalt  }
0x5f: {  	_ =	shalt  }
0x60: {  	_ =	shalt  }
0x61: {  	_ =	shalt  }
0x62: {  	_ =	shalt  }
0x63: {  	_ =	shalt  }
0x64: {  	_ =	shalt  }
0x65: {  	_ =	shalt  }
0x66: {  	_ =	shalt  }
0x67: {  	_ =	shalt  }
0x68: {  	_ =	shalt  }
0x69: {  	_ =	shalt  }
0x6a: {  	_ =	shalt  }
0x6b: {  	_ =	shalt  }
0x6c: {  	_ =	shalt  }
0x6d: {  	_ =	shalt  }
0x6e: {  	_ =	shalt  }
0x6f: {  	_ =	shalt  }
0x70: {  	_ =	shalt  }
0x71: {  	_ =	shalt  }
0x72: {  	_ =	shalt  }
0x73: {  	_ =	shalt  }
0x74: {  	_ =	shalt  }
0x75: {  	_ =	shalt  }
0x76: {  	_ =	shalt  }
0x77: {  	_ =	shalt  }
0x78: {  	_ =	shalt  }
0x79: {  	_ =	shalt  }
0x7a: {  	_ =	shalt  }
0x7b: {  	_ =	shalt  }
0x7c: {  	_ =	shalt  }
0x7d: {  	_ =	shalt  }
0x7e: {  	_ =	shalt  }
0x7f: {  	_ =	shalt  }
0x80: {  	_ =	shalt  }
0x81: {  	_ =	shalt  }
0x82: {  	_ =	shalt  }
0x83: {  	_ =	shalt  }
0x84: {  	_ =	shalt  }
0x85: {  	_ =	shalt  }
0x86: {  	_ =	shalt  }
0x87: {  	_ =	shalt  }
.Lfunc_end0:
.L_simem_size_0:
called_computation_lowered:
.L_overlay_start_0:
0x88: {  	s2 =	sld [smem:$0x3FD9]  }
0x89: {  	s3 =	sld [smem:$0x3FFE];
	_ =	sdelay $0x1  }
0x8a: {  	s1 =	srdreg.scid  }
0x8b: {  	s0 =	sand.u32 $0x1, s1  }
0x8c: {  	s16 =	sshll.u32 s0, $0xA;
	s2 =	sadd.s32 s3, s2  }
0x8d: {  	s2 =	sadd.s32 s2, s16  }
0x8e: {  	[smem:$0x3FB5] =	sst s2  }
0x8f: {  	_ = 	snop  }
0x90: {  	(tm) =	ssettm $0x1  }
0x91: {  	s17 =	sld [smem:$0x3FFB];
	_ =	sdelay $0x3  }
0x92: {  	_ =	strace s17  }
0x93: {  	s2 =	sld [smem:$0x3FFC];
	_ =	sdelay $0x3  }
0x94: {  	_ =	strace s2  }
0x95: {  	s2 =	sld [smem:$0x3FFD];
	_ =	sdelay $0x3  }
0x96: {  	_ =	strace s2  }
0x97: {  	_ =	strace $0x8FFFFFFF  }
0x98: {  	s18 =	sld [smem:$0x3FDB];
	_ =	sdelay $0x1  }
0x99: {  	s19 =	simm.s32 $_scs_section_size  }
0x9a: {  	s4 =	simm.s32 $_size__tile_overlayer_lowered;
	s5 =	simm.s32 $_tile_overlayer_lowered  }
0x9b: {  	s22 =	simm.s32 $0x1BFF;
	s21 =	sshll.u32 s5, $0x1;
	s2 =	sadd.s32 s19, s18  }
0x9c: {  	s6 =	simm.s32 $0x0;
	s20 =	sshll.u32 s4, $0x1;
	s4 =	sadd.s32 s21, s2  }
0x9d: {  	[timem:s6], [sflag:s22] =	dma.local [hbm:s4], s20  }
0x9e: {  	_ =	swait.ge [sflag:s22], s20  }
0x9f: {  	s3 =	ssub.s32 $0x0, s20;
	[sflag:s22] =	ssyncset.done $0x0  }
0xa0: {  	[sflag:s22] =	ssyncadd.s32 s3;
	_ =	sdelay $0x1  }
0xa1: {  	s23 =	simm.s32 $0x1B8B  }
0xa2: {  	_ =	swait.ge [sflag:s23], $0x1  }
0xa3: {  	[sflag:s23] =	ssyncset.done $0x0  }
0xa4: {  	s25 =	simm.s32 $0x1B8E;
	s24 =	sld [smem:$0x3FFE];
	[sflag:s23] =	ssyncadd.s32 $0xFFFFFFFF  }
0xa5: {  	s26 =	simm.s32 $execute0_lowered;
	[smem:$0x3FD2] =	sst s25  }
0xa6: {  	s4 =	sshll.u32 s26, $0x1;
	_ =	strace $0x80000046;
	[dreg:$0x1] =	wrdreg $0xFFFFFFFF  }
0xa7: {  	s28 =	simm.s32 $_size_execute0_lowered;
	s2 =	sadd.s32 s2, s4;
	[dreg:$0x0] =	wrdreg $0x0  }
0xa8: {  	s4 =	sshll.u32 s28, $0x1;
	[dreg:$0x2] =	wrdreg s2  }
0xa9: {  	[dreg:$0x3] =	wrdreg s4  }
0xaa: {  	[dreg:$0x4] =	wrdreg $0xC0  }
0xab: {  	_ =	task [dreg:s6], $0x5FFFF  }
0xac: {  	[dreg:$0x1] =	wrdreg $0xFFFFFFFF  }
0xad: {  	[dreg:$0x0] =	wrdreg $0x60  }
0xae: {  	[dreg:$0x2] =	wrdreg s24  }
0xaf: {  	[dreg:$0x3] =	wrdreg $0x9  }
0xb0: {  	_ =	task.clear_ibuf [dreg:s6], $0x4FFFF;
	_ =	strace $0x90000046  }
0xb1: {  	s29 =	simm.s32 $0x9;
	_ =	strace $0x80000048  }
0xb2: {  	_ =	swait.ge [sflag:s29], $0x1  }
0xb3: {  	[sflag:s29] =	ssyncadd.s32 $0xFFFFFFFF  }
0xb4: {  	_ =	strace $0x90000048  }
0xb5: {  	_ =	sfence  }
0xb6: {  	s30 =	sld [smem:$0x0];
	_ =	sdelay $0x2  }
0xb7: {  	s31 =	sshll.u32 s1, $0xD;
	s1 =	sshrl.u32 s1, $0x2  }
0xb8: {  	s3 =	sand.u32 $0x4000, s31;
	s1 =	sadd.s32 s1, s30  }
0xb9: {  	s0 =	sor.u32 s3, s0;
	s1 =	sshll.u32 s1, $0x11  }
0xba: {  	s0 =	sor.u32 s1, s0  }
0xbb: {  	s0 =	sadd.s32 $0x8F2B, s0  }
0xbc: {  	[sflag:s0] =	ssyncadd.remote.s32 $0x1  }
0xbd: {  	_ =	sfence.sel $0xFFFF  }
0xbe: {  	[dreg:$0x0] =	wrdreg $0xFFFFFFFF;
	(pc) =	sbr.abs _section_cstart, $3  }
0xbf: {  	[dreg:$0x1] =	wrdreg $0xFFFFFFFF  }
0xc0: {  	_ =	task.clear_ibuf [dreg:s6], $0x2FFFF;
	_ =	strace $0x9FFFFFFF  }
0xc1: {  	(tm) =	ssettm $0x7FFFFFFF  }
tec
execute0_lowered:
.L_overlay_start_1:
0x0: {  	(tag) =	ssettag $0x1  }
0x1: {  	s0 =	rddreg [dreg:$0x0]  }
0x2: {  	s2 =	simm.s32 $0x0;
	s1 =	srdreg.scid;
	s3 =	stileid.u32  }
0x3: {  	s9 =	simm.s32 $0x2;
	s10 =	simm.s32 $0x80;
	s11 =	simm.s32 $0x680  }
0x4: {  	s13 =	simm.s32 $0x100;
	s14 =	simm.s32 $0x4680;
	s15 =	simm.s32 $0x180  }
0x5: {  	s16 =	simm.s32 $0x6680;
	s17 =	simm.s32 $0x200;
	s18 =	simm.s32 $0x8680  }
0x6: {  	s19 =	simm.s32 $0x280;
	s20 =	simm.s32 $0xA680;
	s21 =	simm.s32 $0x300  }
0x7: {  	s28 =	simm.s32 $0x480;
	s29 =	simm.s32 $0x12680;
	s30 =	simm.s32 $0x500  }
0x8: {  	s31 =	simm.s32 $0x14680;
	s1 =	sand.u32 $0x1, s1;
	s3 =	sshll.u32 s3, $0x1  }
0x9: {  	[smem:$0x7FF] =	sst s2;
	s5 =	sadd.s32 $0x2800, s0;
	s4 =	sor.u32 s1, s3  }
0xa: {  	_ =	strace $0x80000047;
	s1 =	ssub.s32 $0x2, s1;
	s6 =	smul.u32 $0xD00, s4  }
0xb: {  	s3 =	sadd.s32 $0x27AEC00, s0;
	s7 =	sshrl.u32 s1, $0x1;
	s4 =	smul.u32 $0x6800, s4  }
0xc: {  	s0 =	sadd.s32 $0x5C00, s0;
	s1 =	ssub.s32 s1, s7;
	s7 =	simm.s32 $0x0  }
0xd: {  	s8 =	sshrl.u32 s6, $0x3;
	s6 =	sadd.s32 $0x680, s6;
	s4 =	sadd.s32 s0, s4  }
0xe: {  	s26 =	smax.u32 s1, $0x1;
	s1 =	simm.s32 $0x16680;
	s22 =	sadd.s32 s5, s8  }
0xf: {  	s23 =	sshrl.u32 s6, $0x3;
	[dreg:$0x3] =	wrdreg s4;
	s25 =	sshll.u32 s6, $0x3  }
0x10: {  	[dreg:$0x6] =	wrdreg s26;
	s26 =	simm.s32 $0x10680;
	s4 =	simm.s32 $0x600  }
0x11: {  	s6 =	simm.s32 $0x1;
	[dreg:$0x2] =	wrdreg s22;
	s24 =	sadd.s32 s5, s23  }
0x12: {  	s0 =	sadd.s32 s0, s25;
	s22 =	simm.s32 $0xC680;
	s23 =	simm.s32 $0x380  }
0x13: {  	s25 =	simm.s32 $0x400;
	s5 =	simm.s32 $0x18680;
	[dreg:$0x4] =	wrdreg s24  }
0x14: {  	v0 =	vlaneseq.u32;
	[dreg:$0x5] =	wrdreg s0;
	s24 =	simm.s32 $0xE680;
	s0 =	simm.s32 $0x580  }
.LBB2_1:
0x15: {  	v1 =	vor.u32 s2, v0  }
0x16: {  	s8 =	rddreg [dreg:$0x2];
	v2 =	vmulhi.u32 $0x4EC4EC4F, v1  }
0x17: {  	[tilespmem:s2], [sflag:$0x2] =	stream.linear.gather [hbm4b:s8+s2], $0x680, $0x38;
	[tilespmem:$0x1A680] =	vst v63  }
0x18: {  	_ =	swait.ge [sflag:s9], $0x680;
	v2 =	vshrl.u32 v2, $0x3  }
0x19: {  	[sflag:s9] =	ssyncset.done $0x0;
	v2 =	vmul.u32 $0x1A, v2  }
0x1a: {  	[sflag:s9] =	ssyncadd.s32 $0xFFFFF980  }
0x1b: {  	v3 =	vsub.s32 v1, v2;
	v2 =	vld [tilespmem:s2+$0x0];
	_ =	sdelay $0x1  }
0x1c: {  	s12 =	simm.s32 $0x10  }
0x1d: {  	s8 =	simm.s32 $0x20;
	v1 =	vor.u32 s12, v0;
	s12 =	simm.s32 $0x0;
	v3 =	vmul.u32 $0x186A0, v3  }
.LBB2_2:
0x1e: {  	p0 =	sne.s32 s8, $0x670;
	v4 =	vmulhi.u32 $0x4EC4EC4F, v1  }
0x1f: {  	v2 =	vadd.s32 v3, v2  }
.Ltmp0:
0x20: {  	v3 =	vshrl.u32 v4, $0x3;
	[tilespmem:s12+$0x0] =	vst v2;
	s12 =	sadd.s32 $0x10, s12;
	(pc) =	sbr.rel @p0 .LBB2_2-.Ltmp0, $3  }
0x21: {  	v3 =	vmul.u32 $0x1A, v3;
	v2 =	vld [tilespmem:s12+$0x0];
	_ =	sdelay $0x1  }
0x22: {  	v3 =	vsub.s32 v1, v3  }
0x23: {  	v1 =	vor.u32 s8, v0;
	s8 =	sadd.s32 $0x10, s8;
	v3 =	vmul.u32 $0x186A0, v3  }
0x24: {  	v4 =	vmulhi.u32 $0x4EC4EC4F, v1  }
0x25: {  	v2 =	vadd.s32 v3, v2  }
0x26: {  	s8 =	sadd.s32 $0x10, s12;
	v3 =	vshrl.u32 v4, $0x3;
	[tilespmem:s12+$0x0] =	vst v2  }
0x27: {  	v2 =	vmul.u32 $0x1A, v3;
	v3 =	vld [tilespmem:s8+$0x0];
	_ =	sdelay $0x1  }
0x28: {  	v1 =	vsub.s32 v1, v2  }
0x29: {  	v1 =	vmul.u32 $0x186A0, v1;
	_ =	sdelay $0x1  }
0x2a: {  	v1 =	vadd.s32 v1, v3  }
0x2b: {  	s12 =	simm.s32 $0x0;
	[tilespmem:s8+$0x0] =	vst v1  }
0x2c: {  	[tilespmem:s11], [sflag:$0x1] =	stream.indirect.gather [hbm4b:s3+s10], $0x40, s12, s10, $0xb8;
	[tilespmem:$0x1A680] =	vst v63  }
0x2d: {  	s8 =	simm.s32 $0x2680  }
0x2e: {  	[tilespmem:s8], [sflag:$0x1] =	stream.indirect.gather [hbm4b:s3+s10], $0x40, s10, s10, $0xb8;
	[tilespmem:$0x1A680] =	vst v63  }
0x2f: {  	_ = 	snop  }
0x30: {  	[tilespmem:s14], [sflag:$0x1] =	stream.indirect.gather [hbm4b:s3+s10], $0x40, s13, s10, $0xb8;
	[tilespmem:$0x1A680] =	vst v63  }
0x31: {  	_ = 	snop  }
0x32: {  	[tilespmem:s16], [sflag:$0x1] =	stream.indirect.gather [hbm4b:s3+s10], $0x40, s15, s10, $0xb8;
	[tilespmem:$0x1A680] =	vst v63  }
0x33: {  	_ = 	snop  }
0x34: {  	[tilespmem:s18], [sflag:$0x1] =	stream.indirect.gather [hbm4b:s3+s10], $0x40, s17, s10, $0xb8;
	[tilespmem:$0x1A680] =	vst v63  }
0x35: {  	_ = 	snop  }
0x36: {  	[tilespmem:s20], [sflag:$0x1] =	stream.indirect.gather [hbm4b:s3+s10], $0x40, s19, s10, $0xb8;
	[tilespmem:$0x1A680] =	vst v63  }
0x37: {  	_ = 	snop  }
0x38: {  	[tilespmem:s22], [sflag:$0x1] =	stream.indirect.gather [hbm4b:s3+s10], $0x40, s21, s10, $0xb8;
	[tilespmem:$0x1A680] =	vst v63  }
0x39: {  	_ = 	snop  }
0x3a: {  	[tilespmem:s24], [sflag:$0x1] =	stream.indirect.gather [hbm4b:s3+s10], $0x40, s23, s10, $0xb8;
	[tilespmem:$0x1A680] =	vst v63  }
0x3b: {  	_ = 	snop  }
0x3c: {  	[tilespmem:s26], [sflag:$0x1] =	stream.indirect.gather [hbm4b:s3+s10], $0x40, s25, s10, $0xb8;
	[tilespmem:$0x1A680] =	vst v63  }
0x3d: {  	_ = 	snop  }
0x3e: {  	[tilespmem:s29], [sflag:$0x1] =	stream.indirect.gather [hbm4b:s3+s10], $0x40, s28, s10, $0xb8;
	[tilespmem:$0x1A680] =	vst v63  }
0x3f: {  	_ = 	snop  }
0x40: {  	[tilespmem:s31], [sflag:$0x1] =	stream.indirect.gather [hbm4b:s3+s10], $0x40, s30, s10, $0xb8;
	[tilespmem:$0x1A680] =	vst v63  }
0x41: {  	_ = 	snop  }
0x42: {  	[tilespmem:s1], [sflag:$0x1] =	stream.indirect.gather [hbm4b:s3+s10], $0x40, s0, s10, $0xb8;
	[tilespmem:$0x1A680] =	vst v63  }
0x43: {  	_ = 	snop  }
0x44: {  	[tilespmem:s5], [sflag:$0x1] =	stream.indirect.gather [hbm4b:s3+s10], $0x40, s4, s10, $0xb8;
	[tilespmem:$0x1A680] =	vst v63  }
0x45: {  	_ =	swait.ge [sflag:s6], $0x2000  }
0x46: {  	[sflag:s6] =	ssyncset.done $0x0  }
0x47: {  	[sflag:s6] =	ssyncadd.s32 $0xFFFFE000  }
0x48: {  	_ =	swait.ge [sflag:s6], $0x2000  }
0x49: {  	[sflag:s6] =	ssyncset.done $0x0  }
0x4a: {  	[sflag:s6] =	ssyncadd.s32 $0xFFFFE000  }
0x4b: {  	_ =	swait.ge [sflag:s6], $0x2000  }
0x4c: {  	[sflag:s6] =	ssyncset.done $0x0  }
0x4d: {  	[sflag:s6] =	ssyncadd.s32 $0xFFFFE000  }
0x4e: {  	_ =	swait.ge [sflag:s6], $0x2000  }
0x4f: {  	[sflag:s6] =	ssyncset.done $0x0  }
0x50: {  	[sflag:s6] =	ssyncadd.s32 $0xFFFFE000  }
0x51: {  	_ =	swait.ge [sflag:s6], $0x2000  }
0x52: {  	[sflag:s6] =	ssyncset.done $0x0  }
0x53: {  	[sflag:s6] =	ssyncadd.s32 $0xFFFFE000  }
0x54: {  	_ =	swait.ge [sflag:s6], $0x2000  }
0x55: {  	[sflag:s6] =	ssyncset.done $0x0  }
0x56: {  	[sflag:s6] =	ssyncadd.s32 $0xFFFFE000  }
0x57: {  	_ =	swait.ge [sflag:s6], $0x2000  }
0x58: {  	[sflag:s6] =	ssyncset.done $0x0  }
0x59: {  	[sflag:s6] =	ssyncadd.s32 $0xFFFFE000  }
0x5a: {  	_ =	swait.ge [sflag:s6], $0x2000  }
0x5b: {  	[sflag:s6] =	ssyncset.done $0x0  }
0x5c: {  	[sflag:s6] =	ssyncadd.s32 $0xFFFFE000  }
0x5d: {  	_ =	swait.ge [sflag:s6], $0x2000  }
0x5e: {  	[sflag:s6] =	ssyncset.done $0x0  }
0x5f: {  	[sflag:s6] =	ssyncadd.s32 $0xFFFFE000  }
0x60: {  	_ =	swait.ge [sflag:s6], $0x2000  }
0x61: {  	[sflag:s6] =	ssyncset.done $0x0  }
0x62: {  	[sflag:s6] =	ssyncadd.s32 $0xFFFFE000  }
0x63: {  	_ =	swait.ge [sflag:s6], $0x2000  }
0x64: {  	[sflag:s6] =	ssyncset.done $0x0  }
0x65: {  	[sflag:s6] =	ssyncadd.s32 $0xFFFFE000  }
0x66: {  	_ =	swait.ge [sflag:s6], $0x2000  }
0x67: {  	[sflag:s6] =	ssyncset.done $0x0  }
0x68: {  	[sflag:s6] =	ssyncadd.s32 $0xFFFFE000  }
0x69: {  	_ =	swait.ge [sflag:s6], $0x2000  }
0x6a: {  	[sflag:s6] =	ssyncset.done $0x0  }
0x6b: {  	s8 =	rddreg [dreg:$0x3];
	[sflag:s6] =	ssyncadd.s32 $0xFFFFE000  }
0x6c: {  	[hbm4b:s8+s12] =	stream.linear.scatter [tilespmem:s11], [sflag:$0x2], $0x1A000, $0x38;
	[tilespmem:$0x1A680] =	vst v63  }
0x6d: {  	_ =	swait.ge [sflag:s9], $0x1A000  }
0x6e: {  	v1 =	vor.u32 s12, v0;
	[sflag:s9] =	ssyncset.done $0x0  }
0x6f: {  	v2 =	vmulhi.u32 $0x4EC4EC4F, v1;
	s8 =	rddreg [dreg:$0x4];
	[sflag:s9] =	ssyncadd.s32 $0xFFFE6000  }
0x70: {  	[tilespmem:s12], [sflag:$0x2] =	stream.linear.gather [hbm4b:s8+s12], $0x680, $0x38;
	[tilespmem:$0x1A680] =	vst v63  }
0x71: {  	v2 =	vshrl.u32 v2, $0x3;
	_ =	swait.ge [sflag:s9], $0x680  }
0x72: {  	v2 =	vmul.u32 $0x1A, v2;
	[sflag:s9] =	ssyncset.done $0x0  }
0x73: {  	[sflag:s9] =	ssyncadd.s32 $0xFFFFF980  }
0x74: {  	v3 =	vsub.s32 v1, v2;
	v2 =	vld [tilespmem:s12+$0x0];
	_ =	sdelay $0x1  }
0x75: {  	s8 =	simm.s32 $0x10  }
0x76: {  	v3 =	vmul.u32 $0x186A0, v3;
	v1 =	vor.u32 s8, v0;
	s8 =	simm.s32 $0x20  }
.LBB2_4:
0x77: {  	p0 =	sne.s32 s8, $0x670;
	v4 =	vmulhi.u32 $0x4EC4EC4F, v1  }
0x78: {  	v2 =	vadd.s32 v3, v2  }
.Ltmp1:
0x79: {  	v3 =	vshrl.u32 v4, $0x3;
	[tilespmem:s12+$0x0] =	vst v2;
	s12 =	sadd.s32 $0x10, s12;
	(pc) =	sbr.rel @p0 .LBB2_4-.Ltmp1, $3  }
0x7a: {  	v3 =	vmul.u32 $0x1A, v3;
	v2 =	vld [tilespmem:s12+$0x0];
	_ =	sdelay $0x1  }
0x7b: {  	v3 =	vsub.s32 v1, v3  }
0x7c: {  	v1 =	vor.u32 s8, v0;
	s8 =	sadd.s32 $0x10, s8;
	v3 =	vmul.u32 $0x186A0, v3  }
0x7d: {  	v4 =	vmulhi.u32 $0x4EC4EC4F, v1  }
0x7e: {  	v2 =	vadd.s32 v3, v2  }
0x7f: {  	s8 =	sadd.s32 $0x10, s12;
	v3 =	vshrl.u32 v4, $0x3;
	[tilespmem:s12+$0x0] =	vst v2  }
0x80: {  	v2 =	vmul.u32 $0x1A, v3;
	v3 =	vld [tilespmem:s8+$0x0];
	_ =	sdelay $0x1  }
0x81: {  	v1 =	vsub.s32 v1, v2  }
0x82: {  	v1 =	vmul.u32 $0x186A0, v1;
	_ =	sdelay $0x1  }
0x83: {  	v1 =	vadd.s32 v1, v3  }
0x84: {  	[tilespmem:s8+$0x0] =	vst v1  }
0x85: {  	[tilespmem:s11], [sflag:$0x1] =	stream.indirect.gather [hbm4b:s3+s10], $0x40, s2, s10, $0xb8;
	[tilespmem:$0x1A680] =	vst v63  }
0x86: {  	s12 =	simm.s32 $0x2680  }
0x87: {  	[tilespmem:s12], [sflag:$0x1] =	stream.indirect.gather [hbm4b:s3+s10], $0x40, s10, s10, $0xb8;
	[tilespmem:$0x1A680] =	vst v63  }
0x88: {  	_ = 	snop  }
0x89: {  	[tilespmem:s14], [sflag:$0x1] =	stream.indirect.gather [hbm4b:s3+s10], $0x40, s13, s10, $0xb8;
	[tilespmem:$0x1A680] =	vst v63  }
0x8a: {  	_ = 	snop  }
0x8b: {  	[tilespmem:s16], [sflag:$0x1] =	stream.indirect.gather [hbm4b:s3+s10], $0x40, s15, s10, $0xb8;
	[tilespmem:$0x1A680] =	vst v63  }
0x8c: {  	_ = 	snop  }
0x8d: {  	[tilespmem:s18], [sflag:$0x1] =	stream.indirect.gather [hbm4b:s3+s10], $0x40, s17, s10, $0xb8;
	[tilespmem:$0x1A680] =	vst v63  }
0x8e: {  	_ = 	snop  }
0x8f: {  	[tilespmem:s20], [sflag:$0x1] =	stream.indirect.gather [hbm4b:s3+s10], $0x40, s19, s10, $0xb8;
	[tilespmem:$0x1A680] =	vst v63  }
0x90: {  	_ = 	snop  }
0x91: {  	[tilespmem:s22], [sflag:$0x1] =	stream.indirect.gather [hbm4b:s3+s10], $0x40, s21, s10, $0xb8;
	[tilespmem:$0x1A680] =	vst v63  }
0x92: {  	_ = 	snop  }
0x93: {  	[tilespmem:s24], [sflag:$0x1] =	stream.indirect.gather [hbm4b:s3+s10], $0x40, s23, s10, $0xb8;
	[tilespmem:$0x1A680] =	vst v63  }
0x94: {  	_ = 	snop  }
0x95: {  	[tilespmem:s26], [sflag:$0x1] =	stream.indirect.gather [hbm4b:s3+s10], $0x40, s25, s10, $0xb8;
	[tilespmem:$0x1A680] =	vst v63  }
0x96: {  	_ = 	snop  }
0x97: {  	[tilespmem:s29], [sflag:$0x1] =	stream.indirect.gather [hbm4b:s3+s10], $0x40, s28, s10, $0xb8;
	[tilespmem:$0x1A680] =	vst v63  }
0x98: {  	_ = 	snop  }
0x99: {  	[tilespmem:s31], [sflag:$0x1] =	stream.indirect.gather [hbm4b:s3+s10], $0x40, s30, s10, $0xb8;
	[tilespmem:$0x1A680] =	vst v63  }
0x9a: {  	_ = 	snop  }
0x9b: {  	[tilespmem:s1], [sflag:$0x1] =	stream.indirect.gather [hbm4b:s3+s10], $0x40, s0, s10, $0xb8;
	[tilespmem:$0x1A680] =	vst v63  }
0x9c: {  	_ = 	snop  }
0x9d: {  	[tilespmem:s5], [sflag:$0x1] =	stream.indirect.gather [hbm4b:s3+s10], $0x40, s4, s10, $0xb8;
	[tilespmem:$0x1A680] =	vst v63  }
0x9e: {  	_ =	swait.ge [sflag:s6], $0x2000  }
0x9f: {  	[sflag:s6] =	ssyncset.done $0x0  }
0xa0: {  	[sflag:s6] =	ssyncadd.s32 $0xFFFFE000  }
0xa1: {  	_ =	swait.ge [sflag:s6], $0x2000  }
0xa2: {  	[sflag:s6] =	ssyncset.done $0x0  }
0xa3: {  	[sflag:s6] =	ssyncadd.s32 $0xFFFFE000  }
0xa4: {  	_ =	swait.ge [sflag:s6], $0x2000  }
0xa5: {  	[sflag:s6] =	ssyncset.done $0x0  }
0xa6: {  	[sflag:s6] =	ssyncadd.s32 $0xFFFFE000  }
0xa7: {  	_ =	swait.ge [sflag:s6], $0x2000  }
0xa8: {  	[sflag:s6] =	ssyncset.done $0x0  }
0xa9: {  	[sflag:s6] =	ssyncadd.s32 $0xFFFFE000  }
0xaa: {  	_ =	swait.ge [sflag:s6], $0x2000  }
0xab: {  	[sflag:s6] =	ssyncset.done $0x0  }
0xac: {  	[sflag:s6] =	ssyncadd.s32 $0xFFFFE000  }
0xad: {  	_ =	swait.ge [sflag:s6], $0x2000  }
0xae: {  	[sflag:s6] =	ssyncset.done $0x0  }
0xaf: {  	[sflag:s6] =	ssyncadd.s32 $0xFFFFE000  }
0xb0: {  	_ =	swait.ge [sflag:s6], $0x2000  }
0xb1: {  	[sflag:s6] =	ssyncset.done $0x0  }
0xb2: {  	[sflag:s6] =	ssyncadd.s32 $0xFFFFE000  }
0xb3: {  	_ =	swait.ge [sflag:s6], $0x2000  }
0xb4: {  	[sflag:s6] =	ssyncset.done $0x0  }
0xb5: {  	[sflag:s6] =	ssyncadd.s32 $0xFFFFE000  }
0xb6: {  	_ =	swait.ge [sflag:s6], $0x2000  }
0xb7: {  	[sflag:s6] =	ssyncset.done $0x0  }
0xb8: {  	[sflag:s6] =	ssyncadd.s32 $0xFFFFE000  }
0xb9: {  	_ =	swait.ge [sflag:s6], $0x2000  }
0xba: {  	[sflag:s6] =	ssyncset.done $0x0  }
0xbb: {  	[sflag:s6] =	ssyncadd.s32 $0xFFFFE000  }
0xbc: {  	_ =	swait.ge [sflag:s6], $0x2000  }
0xbd: {  	[sflag:s6] =	ssyncset.done $0x0  }
0xbe: {  	[sflag:s6] =	ssyncadd.s32 $0xFFFFE000  }
0xbf: {  	_ =	swait.ge [sflag:s6], $0x2000  }
0xc0: {  	[sflag:s6] =	ssyncset.done $0x0  }
0xc1: {  	[sflag:s6] =	ssyncadd.s32 $0xFFFFE000  }
0xc2: {  	_ =	swait.ge [sflag:s6], $0x2000  }
0xc3: {  	[sflag:s6] =	ssyncset.done $0x0  }
0xc4: {  	s12 =	rddreg [dreg:$0x5];
	[sflag:s6] =	ssyncadd.s32 $0xFFFFE000  }
0xc5: {  	[hbm4b:s12+s2] =	stream.linear.scatter [tilespmem:s11], [sflag:$0x2], $0x1A000, $0x38;
	[tilespmem:$0x1A680] =	vst v63  }
0xc6: {  	_ =	swait.ge [sflag:s9], $0x1A000  }
0xc7: {  	s7 =	sadd.s32 $0x1, s7;
	s12 =	rddreg [dreg:$0x6]  }
0xc8: {  	p0 =	sne.s32 s7, s12  }
.Ltmp2:
0xc9: {  	_ = 	snop;
	(pc) =	sbr.rel @p0 .LBB2_1-.Ltmp2, $3  }
0xca: {  	_ =	sdelay $0x1  }
0xcb: {  	[sflag:s9] =	ssyncset.done $0x0  }
0xcc: {  	[sflag:s9] =	ssyncadd.s32 $0xFFFE6000  }
0xcd: {  	_ =	sfence.sel $0x180000  }
0xce: {  	[bflag:$0x0] =	sbarrier.arrive $0xFFFF  }
0xcf: {  	_ =	strace $0x90000047  }
0xd0: {  	s0 =	stileid.u32;
	[bflag:$0x2] =	sbarrier.arrive $0xFFFF  }
0xd1: {  	p0 =	sne.s32 s0, $0x0;
	s0 =	rddreg [dreg:$0x1]  }
0xd2: {  	s0 =	sadd.s32 @!p0 $0x100000, s0  }
0xd3: {  	[sflag:s0] =	ssyncadd.tile.s32 @!p0 $0x1;
	_ =	shalt  }
.Lfunc_end2:
_tile_overlayer_lowered:
.L_overlay_start_2:
0xd4: {  	(tag) =	ssettag $0x2  }
0xd5: {  	s0 =	rddreg [dreg:$0x0];
	s2 =	stileid.u32  }
0xd6: {  	s1 =	rddreg [dreg:$0x1];
	p0 =	sne.s32 s2, $0x0  }
0xd7: {  	s3 =	rddreg [dreg:$0x2];
	[bflag:$0x3] =	sbarrier.arrive $0xFFFF;
	s2 =	simm.s32 @!p0 $0x1C02  }
0xd8: {  	[timem:s3], [sflag:s2] =	dma.local @!p0 [hbm:s0], s1  }
0xd9: {  	s0 =	simm.s32 @!p0 $0x2  }
0xda: {  	_ =	swait.ge @!p0 [sflag:s0], s1  }
0xdb: {  	s1 =	ssub.s32 @!p0 $0x0, s1;
	[sflag:s0] =	ssyncset.done @!p0 $0x0  }
0xdc: {  	[sflag:s0] =	ssyncadd.s32 @!p0 s1  }
0xdd: {  	[bflag:$0x3] =	sbarrier.arrive $0xFFFF  }
0xde: {  	_ =	shalt  }

</sc_bundles>
